<compile_context>
chip_gen: v7x
topology: tpu7x:2x2x1
jax: 0.10.2.dev20260603
libtpu: 0.0.44.dev20260713+nightly
codegen_flags: <defaults>
</compile_context>

<pallas_src>
import functools

import jax
import jax.numpy as jnp
from jax import lax
from jax.experimental import pallas as pl
from jax.experimental.pallas import tpu as pltpu
from jax.experimental.pallas import tpu_sc as plsc

N = 10000
E = 320000
D = 128
H = 128
C = 64

NC = 2
NS = 16
NW = NC * NS
CHUNK = 80
NCHUNK = 125
SB = 25
NSB = NCHUNK // SB
NA = 10240
RPS = NA // NS
NPADR = NA - N

_MESH = plsc.VectorSubcoreMesh(core_axis_name="c", subcore_axis_name="s")


def _sc_agg_body(with_deg, *refs):
    if with_deg:
        (y_hbm, e_hbm, z_hbm, z1_hbm, part_hbm, deg_hbm,
         srcv2, dstv2, rows0, rows1, ones1, acc, dacc,
         sg0, sg1, ss0, ss1) = refs
    else:
        (y_hbm, e_hbm, z_hbm, part_hbm,
         srcv2, dstv2, rows0, rows1, acc,
         sg0, sg1, ss0, ss1) = refs
    cid = lax.axis_index("c")
    sid = lax.axis_index("s")
    wid = cid * NS + sid
    r0 = sid * RPS

    pltpu.sync_copy(z_hbm, acc.at[pl.ds(r0, RPS)])
    if with_deg:
        pltpu.sync_copy(z1_hbm, dacc.at[pl.ds(r0, RPS)])

        @pl.loop(0, CHUNK // 16)
        def _(i):
            ones1[pl.ds(i * 16, 16)] = jnp.full((16,), 1.0, jnp.float32)

    plsc.subcore_barrier()

    def gather(c, rows, sem):
        return pltpu.async_copy(y_hbm.at[srcv2.at[c]], rows, sem)

    def wait_gather(c, rows, sem):
        pltpu.make_async_copy(y_hbm.at[srcv2.at[c]], rows, sem).wait()

    def scatter(c, rows, sem):
        return pltpu.async_copy(rows, acc.at[dstv2.at[c]], sem, add=True)

    def wait_scatter(c, rows, sem):
        pltpu.make_async_copy(rows, acc.at[dstv2.at[c]], sem).wait()

    def deg_scatter(c):
        if with_deg:
            pltpu.sync_copy(ones1, dacc.at[dstv2.at[c]], add=True)

    def pair(c0, first, last):
        c1 = c0 + 1
        if not first:
            wait_scatter(c1, rows1, ss1)
        g1 = gather(c1, rows1, sg1)
        wait_gather(c0, rows0, sg0)
        scatter(c0, rows0, ss0)
        deg_scatter(c0)
        g1.wait()
        wait_scatter(c0, rows0, ss0)
        if not last:
            gather(c0 + 2, rows0, sg0)
        scatter(c1, rows1, ss1)
        deg_scatter(c1)

    @pl.loop(0, NSB)
    def _(sb):
        pltpu.sync_copy(e_hbm.at[0, wid, sb], srcv2)
        pltpu.sync_copy(e_hbm.at[1, wid, sb], dstv2)
        gather(0, rows0, sg0)
        pair(0, first=True, last=False)

        @pl.loop(1, SB // 2)
        def _(k):
            pair(2 * k, first=False, last=False)

        wait_scatter(SB - 2, rows1, ss1)
        wait_gather(SB - 1, rows0, sg0)
        pltpu.sync_copy(rows0, acc.at[dstv2.at[SB - 1]], add=True)
        deg_scatter(SB - 1)

    plsc.subcore_barrier()
    pltpu.sync_copy(acc.at[pl.ds(r0, RPS)], part_hbm.at[cid, pl.ds(r0, RPS)])
    if with_deg:
        pltpu.sync_copy(dacc.at[pl.ds(r0, RPS)],
                        deg_hbm.at[pl.ds(cid * NA + r0, RPS)])


def _make_sc_agg(with_deg):
    out_type = [jax.ShapeDtypeStruct((NC, NA, H), jnp.float32)]
    scratch = [
        pltpu.VMEM((SB, CHUNK), jnp.int32),
        pltpu.VMEM((SB, CHUNK), jnp.int32),
        pltpu.VMEM((CHUNK, H), jnp.float32),
        pltpu.VMEM((CHUNK, H), jnp.float32),
    ]
    if with_deg:
        out_type.append(jax.ShapeDtypeStruct((NC * NA,), jnp.float32))
        scratch.append(pltpu.VMEM((CHUNK,), jnp.float32))
    scratch.append(pltpu.VMEM_SHARED((NA, H), jnp.float32))
    if with_deg:
        scratch.append(pltpu.VMEM_SHARED((NA,), jnp.float32))
    scratch += [pltpu.SemaphoreType.DMA] * 4
    return pl.kernel(
        functools.partial(_sc_agg_body, with_deg),
        out_type=out_type,
        mesh=_MESH,
        scratch_types=scratch,
    )


_sc_agg_deg = _make_sc_agg(True)
_sc_agg = _make_sc_agg(False)

BN = 2000


def _mm_body(x_ref, w_ref, o_ref):
    o_ref[...] = jnp.dot(x_ref[...], w_ref[...],
                         preferred_element_type=jnp.float32,
                 precision=jax.lax.Precision.DEFAULT)


def _tc_matmul(x, w):
    n, d = x.shape
    h = w.shape[1]
    return pl.pallas_call(
        _mm_body,
        grid=(n // BN,),
        in_specs=[pl.BlockSpec((BN, d), lambda i: (i, 0)),
                  pl.BlockSpec((d, h), lambda i: (0, 0))],
        out_specs=pl.BlockSpec((BN, h), lambda i: (i, 0)),
        out_shape=jax.ShapeDtypeStruct((n, h), jnp.float32),
    )(x, w)


def _dinv(d_ref):
    deg = d_ref[:, 0:1] + d_ref[:, 1:2]
    return 1.0 / jnp.maximum(deg, 1.0)


def _layer_body(x_ref, ws_ref, wn_ref, b_ref, p_ref, d_ref, h_ref):
    agg = (p_ref[0] + p_ref[1]) * _dinv(d_ref)
    h = jnp.dot(x_ref[...], ws_ref[...], preferred_element_type=jnp.float32,
                 precision=jax.lax.Precision.DEFAULT)
    h = h + jnp.dot(agg, wn_ref[...], preferred_element_type=jnp.float32,
                 precision=jax.lax.Precision.DEFAULT)
    h_ref[...] = jnp.maximum(h + b_ref[...], 0.0)


def _tc_layer(x, w_self, w_neigh, b, part, degT):
    return pl.pallas_call(
        _layer_body,
        grid=(N // BN,),
        in_specs=[pl.BlockSpec((BN, D), lambda i: (i, 0)),
                  pl.BlockSpec((D, H), lambda i: (0, 0)),
                  pl.BlockSpec((D, H), lambda i: (0, 0)),
                  pl.BlockSpec((1, H), lambda i: (0, 0)),
                  pl.BlockSpec((NC, BN, D), lambda i: (0, i, 0)),
                  pl.BlockSpec((BN, NC), lambda i: (i, 0))],
        out_specs=pl.BlockSpec((BN, H), lambda i: (i, 0)),
        out_shape=jax.ShapeDtypeStruct((N, H), jnp.float32),
    )(x, w_self, w_neigh, b, part, degT)


def _final_body(h_ref, ws_ref, wn_ref, b_ref, q_ref, d_ref, wo_ref, bo_ref,
                o_ref):
    agg = (q_ref[0] + q_ref[1]) * _dinv(d_ref)
    h2 = jnp.dot(h_ref[...], ws_ref[...], preferred_element_type=jnp.float32,
                 precision=jax.lax.Precision.DEFAULT)
    h2 = h2 + jnp.dot(agg, wn_ref[...], preferred_element_type=jnp.float32,
                 precision=jax.lax.Precision.DEFAULT)
    h2 = jnp.maximum(h2 + b_ref[...], 0.0)
    o_ref[...] = jnp.dot(h2, wo_ref[...],
                         preferred_element_type=jnp.float32,
                 precision=jax.lax.Precision.DEFAULT) + bo_ref[...]


def _tc_final(h1, w_self2, w_neigh2, b2, part, degT, w_out, b_out):
    return pl.pallas_call(
        _final_body,
        grid=(N // BN,),
        in_specs=[pl.BlockSpec((BN, H), lambda i: (i, 0)),
                  pl.BlockSpec((H, H), lambda i: (0, 0)),
                  pl.BlockSpec((H, H), lambda i: (0, 0)),
                  pl.BlockSpec((1, H), lambda i: (0, 0)),
                  pl.BlockSpec((NC, BN, H), lambda i: (0, i, 0)),
                  pl.BlockSpec((BN, NC), lambda i: (i, 0)),
                  pl.BlockSpec((H, C), lambda i: (0, 0)),
                  pl.BlockSpec((1, C), lambda i: (0, 0))],
        out_specs=pl.BlockSpec((BN, C), lambda i: (i, 0)),
        out_shape=jax.ShapeDtypeStruct((N, C), jnp.float32),
    )(h1, w_self2, w_neigh2, b2, part, degT, w_out, b_out)


def kernel(features, edge_index, W_self1, W_neigh1, b1,
           W_self2, W_neigh2, b2, W_out, b_out):
    e5 = edge_index.reshape(2, NW, NSB, SB, CHUNK)
    z128 = jnp.zeros((RPS, H), jnp.float32)
    z1 = jnp.zeros((RPS,), jnp.float32)

    part1, deg_flat = _sc_agg_deg(features, e5, z128, z1)
    degT = deg_flat.reshape(NC, NA).T
    h1 = _tc_layer(features, W_self1, W_neigh1, b1.reshape(1, H), part1, degT)
    (part2,) = _sc_agg(h1, e5, z128)
    out = _tc_final(h1, W_self2, W_neigh2, b2.reshape(1, H), part2, degT,
                    W_out, b_out.reshape(1, C))
    return out

# --- scband reference (transcript-rebuilt; emitter-appended) ---
"""Pipeline reference for scband-graph-sage-25864293056532 (READ-ONLY COPY).

The authoritative reference and input builder live on the scoring server;
editing this copy changes nothing except your own understanding.
"""

import jax, jax.numpy as jnp
import numpy as np

N = 10000
E = 320000
D = 128
H = 128
C = 64


def setup_inputs(seed: int = 0) -> dict:
    key = jax.random.key(seed)
    ks = jax.random.split(key, 12)
    features = jax.random.normal(ks[0], (N, D), dtype=jnp.float32)
    edge_index = jax.random.randint(ks[1], (2, E), 0, N, dtype=jnp.int32)
    s = 1.0 / np.sqrt(D)
    sh = 1.0 / np.sqrt(H)
    W_self1 = jax.random.normal(ks[2], (D, H), dtype=jnp.float32) * s
    W_neigh1 = jax.random.normal(ks[3], (D, H), dtype=jnp.float32) * s
    b1 = jnp.zeros((H,), dtype=jnp.float32)
    W_self2 = jax.random.normal(ks[4], (H, H), dtype=jnp.float32) * sh
    W_neigh2 = jax.random.normal(ks[5], (H, H), dtype=jnp.float32) * sh
    b2 = jnp.zeros((H,), dtype=jnp.float32)
    W_out = jax.random.normal(ks[6], (H, C), dtype=jnp.float32) * sh
    b_out = jnp.zeros((C,), dtype=jnp.float32)
    return {
        'features': features, 'edge_index': edge_index,
        'W_self1': W_self1, 'W_neigh1': W_neigh1, 'b1': b1,
        'W_self2': W_self2, 'W_neigh2': W_neigh2, 'b2': b2,
        'W_out': W_out, 'b_out': b_out,
    }


def _sage_layer(x, src, dst, deg_inv, W_self, W_neigh, b):
    # DGL SAGEConv with mean aggregator:
    # h_neigh = fc_neigh(mean_{u in N(v)} x_u); rst = fc_self(x_v) + h_neigh + bias
    msg = x[src]
    agg = jnp.zeros((N, x.shape[1]), dtype=x.dtype).at[dst].add(msg)
    agg = agg * deg_inv
    h = x @ W_self + agg @ W_neigh + b
    return jax.nn.relu(h)


def reference(features, edge_index, W_self1, W_neigh1, b1, W_self2, W_neigh2, b2, W_out, b_out):
    src = edge_index[0]
    dst = edge_index[1]
    deg = jnp.zeros((N,), dtype=jnp.float32).at[dst].add(1.0)
    deg_inv = (1.0 / jnp.maximum(deg, 1.0))[:, None]
    h = _sage_layer(features, src, dst, deg_inv, W_self1, W_neigh1, b1)
    h = _sage_layer(h, src, dst, deg_inv, W_self2, W_neigh2, b2)
    out = h @ W_out + b_out
    return out

if __name__ == "__main__":
    import jax
    _d = setup_inputs()
    print(jax.jit(kernel)(*tuple(_d.values())))

</pallas_src>

<mosaic_0001>
#map = affine_map<(d0, d1) -> (0, 0)>
#map1 = affine_map<(d0, d1) -> (0, 0, 0, 0, 0)>
#map2 = affine_map<(d0, d1) -> (0, 0, 0)>
module attributes {stable_mosaic.version = 14 : i64} {
  func.func @_sc_agg_body(%arg0: i32, %arg1: i32, %arg2: memref<10000x128xf32, #tpu.memory_space<hbm>>, %arg3: memref<2x32x5x25x80xi32, #tpu.memory_space<hbm>>, %arg4: memref<640x128xf32, #tpu.memory_space<hbm>>, %arg5: memref<2x10240x128xf32, #tpu.memory_space<hbm>>, %arg6: memref<25x80xi32, #tpu.memory_space<vmem>>, %arg7: memref<25x80xi32, #tpu.memory_space<vmem>>, %arg8: memref<80x128xf32, #tpu.memory_space<vmem>>, %arg9: memref<80x128xf32, #tpu.memory_space<vmem>>, %arg10: memref<10240x128xf32, #tpu.memory_space<vmem_shared>>, %arg11: memref<!tpu.dma_semaphore, #tpu.memory_space<semaphore_mem>>, %arg12: memref<!tpu.dma_semaphore, #tpu.memory_space<semaphore_mem>>, %arg13: memref<!tpu.dma_semaphore, #tpu.memory_space<semaphore_mem>>, %arg14: memref<!tpu.dma_semaphore, #tpu.memory_space<semaphore_mem>>) attributes {dimension_semantics = [#tpu.dimension_semantics<core_parallel>, #tpu.dimension_semantics<subcore_parallel>], iteration_bounds = array<i64: 2, 16>, scalar_prefetch = 0 : i64, scratch_operands = 9 : i64, tpu.core_type = #tpu.core_type<sc_vector_subcore>, window_params = [{transform_indices = #map}, {transform_indices = #map1}, {transform_indices = #map}, {transform_indices = #map2}]} {
    %mul3A = arith.constant 16 : i32
    %mul3A_0 = arith.muli %arg0, %mul3A : i32
    %add3A = arith.addi %mul3A_0, %arg1 : i32
    %mul3A_1 = arith.constant 640 : i32
    %mul3A_2 = arith.muli %arg1, %mul3A_1 : i32
    "tpu.region"() ({
      %run_scoped3A = tpu.sem_alloc : memref<!tpu.dma_semaphore, #tpu.memory_space<semaphore_mem>>
      %dma_start3A = arith.constant 0 : i32
      %dma_start3A_8 = tpu.memref_slice %arg10[%mul3A_2, %dma_start3A] : memref<10240x128xf32, #tpu.memory_space<vmem_shared>> -> memref<640x128xf32, #tpu.memory_space<vmem_shared>>
      tpu.enqueue_dma source(%arg4 : memref<640x128xf32, #tpu.memory_space<hbm>>) target(%dma_start3A_8 : memref<640x128xf32, #tpu.memory_space<vmem_shared>>) target_semaphore(%run_scoped3A : memref<!tpu.dma_semaphore, #tpu.memory_space<semaphore_mem>>)
      %dma_wait3A = arith.constant 0 : i32
      %dma_wait3A_9 = tpu.memref_slice %arg10[%mul3A_2, %dma_wait3A] : memref<10240x128xf32, #tpu.memory_space<vmem_shared>> -> memref<640x128xf32, #tpu.memory_space<vmem_shared>>
      tpu.wait_dma2 semaphore(%run_scoped3A : memref<!tpu.dma_semaphore, #tpu.memory_space<semaphore_mem>>) src(%arg4 : memref<640x128xf32, #tpu.memory_space<hbm>>) dst(%dma_wait3A_9 : memref<640x128xf32, #tpu.memory_space<vmem_shared>>)
      tpu.yield
    }) : () -> ()
    %barrier3A = arith.constant 0 : index
    tpu.barrier barrier_id(%barrier3A)
    %scan3A = arith.constant 0 : i32
    %scan3A_3 = arith.constant 5 : i32
    %scan3A_4 = arith.addi %scan3A, %scan3A_3 : i32
    %scan3A_5 = arith.constant 1 : i32
    scf.for %scan3A_8 = %scan3A to %scan3A_4 step %scan3A_5  : i32 {
      %mul3A_9 = arith.constant 1 : i32
      %mul3A_10 = arith.muli %scan3A_8, %mul3A_9 : i32
      %add3A_11 = arith.constant 0 : i32
      %add3A_12 = arith.addi %add3A_11, %mul3A_10 : i32
      %run_scoped3A = arith.constant 0 : i32
      "tpu.region"() ({
        %run_scoped3A_88 = tpu.sem_alloc : memref<!tpu.dma_semaphore, #tpu.memory_space<semaphore_mem>>
        %dma_start3A_89 = arith.constant 0 : i32
        %dma_start3A_90 = arith.constant 0 : i32
        %dma_start3A_91 = tpu.memref_slice %arg3[%run_scoped3A, %add3A, %add3A_12, %dma_start3A_89, %dma_start3A_90] : memref<2x32x5x25x80xi32, #tpu.memory_space<hbm>> -> memref<1x1x1x25x80xi32, #tpu.memory_space<hbm>>
        %dma_start3A_92 = tpu.memref_squeeze %dma_start3A_91 : memref<1x1x1x25x80xi32, #tpu.memory_space<hbm>> -> memref<25x80xi32, #tpu.memory_space<hbm>>
        %dma_start3A_93 = arith.constant 0 : i32
        %dma_start3A_94 = arith.constant 0 : i32
        %dma_start3A_95 = tpu.memref_slice %arg3[%run_scoped3A, %add3A, %add3A_12, %dma_start3A_93, %dma_start3A_94] : memref<2x32x5x25x80xi32, #tpu.memory_space<hbm>> -> memref<1x1x1x25x80xi32, #tpu.memory_space<hbm>>
        %dma_start3A_96 = tpu.memref_squeeze %dma_start3A_95 : memref<1x1x1x25x80xi32, #tpu.memory_space<hbm>> -> memref<25x80xi32, #tpu.memory_space<hbm>>
        tpu.enqueue_dma source(%dma_start3A_96 : memref<25x80xi32, #tpu.memory_space<hbm>>) target(%arg6 : memref<25x80xi32, #tpu.memory_space<vmem>>) target_semaphore(%run_scoped3A_88 : memref<!tpu.dma_semaphore, #tpu.memory_space<semaphore_mem>>)
        %dma_wait3A_97 = arith.constant 0 : i32
        %dma_wait3A_98 = arith.constant 0 : i32
        %dma_wait3A_99 = tpu.memref_slice %arg3[%run_scoped3A, %add3A, %add3A_12, %dma_wait3A_97, %dma_wait3A_98] : memref<2x32x5x25x80xi32, #tpu.memory_space<hbm>> -> memref<1x1x1x25x80xi32, #tpu.memory_space<hbm>>
        %dma_wait3A_100 = tpu.memref_squeeze %dma_wait3A_99 : memref<1x1x1x25x80xi32, #tpu.memory_space<hbm>> -> memref<25x80xi32, #tpu.memory_space<hbm>>
        %dma_wait3A_101 = arith.constant 0 : i32
        %dma_wait3A_102 = arith.constant 0 : i32
        %dma_wait3A_103 = tpu.memref_slice %arg3[%run_scoped3A, %add3A, %add3A_12, %dma_wait3A_101, %dma_wait3A_102] : memref<2x32x5x25x80xi32, #tpu.memory_space<hbm>> -> memref<1x1x1x25x80xi32, #tpu.memory_space<hbm>>
        %dma_wait3A_104 = tpu.memref_squeeze %dma_wait3A_103 : memref<1x1x1x25x80xi32, #tpu.memory_space<hbm>> -> memref<25x80xi32, #tpu.memory_space<hbm>>
        tpu.wait_dma2 semaphore(%run_scoped3A_88 : memref<!tpu.dma_semaphore, #tpu.memory_space<semaphore_mem>>) src(%dma_wait3A_104 : memref<25x80xi32, #tpu.memory_space<hbm>>) dst(%arg6 : memref<25x80xi32, #tpu.memory_space<vmem>>)
        tpu.yield
      }) : () -> ()
      %run_scoped3A_13 = arith.constant 1 : i32
      "tpu.region"() ({
        %run_scoped3A_88 = tpu.sem_alloc : memref<!tpu.dma_semaphore, #tpu.memory_space<semaphore_mem>>
        %dma_start3A_89 = arith.constant 0 : i32
        %dma_start3A_90 = arith.constant 0 : i32
        %dma_start3A_91 = tpu.memref_slice %arg3[%run_scoped3A_13, %add3A, %add3A_12, %dma_start3A_89, %dma_start3A_90] : memref<2x32x5x25x80xi32, #tpu.memory_space<hbm>> -> memref<1x1x1x25x80xi32, #tpu.memory_space<hbm>>
        %dma_start3A_92 = tpu.memref_squeeze %dma_start3A_91 : memref<1x1x1x25x80xi32, #tpu.memory_space<hbm>> -> memref<25x80xi32, #tpu.memory_space<hbm>>
        %dma_start3A_93 = arith.constant 0 : i32
        %dma_start3A_94 = arith.constant 0 : i32
        %dma_start3A_95 = tpu.memref_slice %arg3[%run_scoped3A_13, %add3A, %add3A_12, %dma_start3A_93, %dma_start3A_94] : memref<2x32x5x25x80xi32, #tpu.memory_space<hbm>> -> memref<1x1x1x25x80xi32, #tpu.memory_space<hbm>>
        %dma_start3A_96 = tpu.memref_squeeze %dma_start3A_95 : memref<1x1x1x25x80xi32, #tpu.memory_space<hbm>> -> memref<25x80xi32, #tpu.memory_space<hbm>>
        tpu.enqueue_dma source(%dma_start3A_96 : memref<25x80xi32, #tpu.memory_space<hbm>>) target(%arg7 : memref<25x80xi32, #tpu.memory_space<vmem>>) target_semaphore(%run_scoped3A_88 : memref<!tpu.dma_semaphore, #tpu.memory_space<semaphore_mem>>)
        %dma_wait3A_97 = arith.constant 0 : i32
        %dma_wait3A_98 = arith.constant 0 : i32
        %dma_wait3A_99 = tpu.memref_slice %arg3[%run_scoped3A_13, %add3A, %add3A_12, %dma_wait3A_97, %dma_wait3A_98] : memref<2x32x5x25x80xi32, #tpu.memory_space<hbm>> -> memref<1x1x1x25x80xi32, #tpu.memory_space<hbm>>
        %dma_wait3A_100 = tpu.memref_squeeze %dma_wait3A_99 : memref<1x1x1x25x80xi32, #tpu.memory_space<hbm>> -> memref<25x80xi32, #tpu.memory_space<hbm>>
        %dma_wait3A_101 = arith.constant 0 : i32
        %dma_wait3A_102 = arith.constant 0 : i32
        %dma_wait3A_103 = tpu.memref_slice %arg3[%run_scoped3A_13, %add3A, %add3A_12, %dma_wait3A_101, %dma_wait3A_102] : memref<2x32x5x25x80xi32, #tpu.memory_space<hbm>> -> memref<1x1x1x25x80xi32, #tpu.memory_space<hbm>>
        %dma_wait3A_104 = tpu.memref_squeeze %dma_wait3A_103 : memref<1x1x1x25x80xi32, #tpu.memory_space<hbm>> -> memref<25x80xi32, #tpu.memory_space<hbm>>
        tpu.wait_dma2 semaphore(%run_scoped3A_88 : memref<!tpu.dma_semaphore, #tpu.memory_space<semaphore_mem>>) src(%dma_wait3A_104 : memref<25x80xi32, #tpu.memory_space<hbm>>) dst(%arg7 : memref<25x80xi32, #tpu.memory_space<vmem>>)
        tpu.yield
      }) : () -> ()
      %dma_start3A = arith.constant 0 : i32
      %dma_start3A_14 = arith.constant 0 : i32
      %dma_start3A_15 = tpu.memref_slice %arg6[%dma_start3A, %dma_start3A_14] : memref<25x80xi32, #tpu.memory_space<vmem>> -> memref<1x80xi32, #tpu.memory_space<vmem>>
      %dma_start3A_16 = tpu.memref_squeeze %dma_start3A_15 : memref<1x80xi32, #tpu.memory_space<vmem>> -> memref<80xi32, #tpu.memory_space<vmem>>
      %dma_start3A_17 = arith.constant 0 : i32
      %dma_start3A_18 = arith.constant 0 : i32
      %dma_start3A_19 = tpu.memref_slice %arg2[%dma_start3A_17, %dma_start3A_18] : memref<10000x128xf32, #tpu.memory_space<hbm>> -> memref<10000x128xf32, #tpu.memory_space<hbm>>
      tpu.enqueue_indirect_dma source(%dma_start3A_19 : memref<10000x128xf32, #tpu.memory_space<hbm>>) target(%arg8 : memref<80x128xf32, #tpu.memory_space<vmem>>) offsets(%dma_start3A_16 : memref<80xi32, #tpu.memory_space<vmem>>) semaphore(%arg11 : memref<!tpu.dma_semaphore, #tpu.memory_space<semaphore_mem>>)
      %dma_start3A_20 = arith.constant 1 : i32
      %dma_start3A_21 = arith.constant 0 : i32
      %dma_start3A_22 = tpu.memref_slice %arg6[%dma_start3A_20, %dma_start3A_21] : memref<25x80xi32, #tpu.memory_space<vmem>> -> memref<1x80xi32, #tpu.memory_space<vmem>>
      %dma_start3A_23 = tpu.memref_squeeze %dma_start3A_22 : memref<1x80xi32, #tpu.memory_space<vmem>> -> memref<80xi32, #tpu.memory_space<vmem>>
      %dma_start3A_24 = arith.constant 0 : i32
      %dma_start3A_25 = arith.constant 0 : i32
      %dma_start3A_26 = tpu.memref_slice %arg2[%dma_start3A_24, %dma_start3A_25] : memref<10000x128xf32, #tpu.memory_space<hbm>> -> memref<10000x128xf32, #tpu.memory_space<hbm>>
      tpu.enqueue_indirect_dma source(%dma_start3A_26 : memref<10000x128xf32, #tpu.memory_space<hbm>>) target(%arg9 : memref<80x128xf32, #tpu.memory_space<vmem>>) offsets(%dma_start3A_23 : memref<80xi32, #tpu.memory_space<vmem>>) semaphore(%arg12 : memref<!tpu.dma_semaphore, #tpu.memory_space<semaphore_mem>>)
      %dma_wait3A = arith.constant 0 : i32
      %dma_wait3A_27 = arith.constant 0 : i32
      %dma_wait3A_28 = tpu.memref_slice %arg6[%dma_wait3A, %dma_wait3A_27] : memref<25x80xi32, #tpu.memory_space<vmem>> -> memref<1x80xi32, #tpu.memory_space<vmem>>
      %dma_wait3A_29 = tpu.memref_squeeze %dma_wait3A_28 : memref<1x80xi32, #tpu.memory_space<vmem>> -> memref<80xi32, #tpu.memory_space<vmem>>
      %dma_wait3A_30 = arith.constant 0 : i32
      %dma_wait3A_31 = arith.constant 0 : i32
      %dma_wait3A_32 = tpu.memref_slice %arg2[%dma_wait3A_30, %dma_wait3A_31] : memref<10000x128xf32, #tpu.memory_space<hbm>> -> memref<10000x128xf32, #tpu.memory_space<hbm>>
      tpu.wait_indirect_dma semaphore(%arg11 : memref<!tpu.dma_semaphore, #tpu.memory_space<semaphore_mem>>) src(%dma_wait3A_32 : memref<10000x128xf32, #tpu.memory_space<hbm>>) dst(%arg8 : memref<80x128xf32, #tpu.memory_space<vmem>>)
      %dma_start3A_33 = arith.constant 0 : i32
      %dma_start3A_34 = arith.constant 0 : i32
      %dma_start3A_35 = tpu.memref_slice %arg7[%dma_start3A_33, %dma_start3A_34] : memref<25x80xi32, #tpu.memory_space<vmem>> -> memref<1x80xi32, #tpu.memory_space<vmem>>
      %dma_start3A_36 = tpu.memref_squeeze %dma_start3A_35 : memref<1x80xi32, #tpu.memory_space<vmem>> -> memref<80xi32, #tpu.memory_space<vmem>>
      %dma_start3A_37 = arith.constant 0 : i32
      %dma_start3A_38 = arith.constant 0 : i32
      %dma_start3A_39 = tpu.memref_slice %arg10[%dma_start3A_37, %dma_start3A_38] : memref<10240x128xf32, #tpu.memory_space<vmem_shared>> -> memref<10240x128xf32, #tpu.memory_space<vmem_shared>>
      tpu.enqueue_indirect_dma source(%arg8 : memref<80x128xf32, #tpu.memory_space<vmem>>) target(%dma_start3A_39 : memref<10240x128xf32, #tpu.memory_space<vmem_shared>>) offsets(%dma_start3A_36 : memref<80xi32, #tpu.memory_space<vmem>>) semaphore(%arg13 : memref<!tpu.dma_semaphore, #tpu.memory_space<semaphore_mem>>) {add = true}
      %dma_wait3A_40 = arith.constant 1 : i32
      %dma_wait3A_41 = arith.constant 0 : i32
      %dma_wait3A_42 = tpu.memref_slice %arg6[%dma_wait3A_40, %dma_wait3A_41] : memref<25x80xi32, #tpu.memory_space<vmem>> -> memref<1x80xi32, #tpu.memory_space<vmem>>
      %dma_wait3A_43 = tpu.memref_squeeze %dma_wait3A_42 : memref<1x80xi32, #tpu.memory_space<vmem>> -> memref<80xi32, #tpu.memory_space<vmem>>
      %dma_wait3A_44 = arith.constant 0 : i32
      %dma_wait3A_45 = arith.constant 0 : i32
      %dma_wait3A_46 = tpu.memref_slice %arg2[%dma_wait3A_44, %dma_wait3A_45] : memref<10000x128xf32, #tpu.memory_space<hbm>> -> memref<10000x128xf32, #tpu.memory_space<hbm>>
      tpu.wait_indirect_dma semaphore(%arg12 : memref<!tpu.dma_semaphore, #tpu.memory_space<semaphore_mem>>) src(%dma_wait3A_46 : memref<10000x128xf32, #tpu.memory_space<hbm>>) dst(%arg9 : memref<80x128xf32, #tpu.memory_space<vmem>>)
      %dma_wait3A_47 = arith.constant 0 : i32
      %dma_wait3A_48 = arith.constant 0 : i32
      %dma_wait3A_49 = tpu.memref_slice %arg7[%dma_wait3A_47, %dma_wait3A_48] : memref<25x80xi32, #tpu.memory_space<vmem>> -> memref<1x80xi32, #tpu.memory_space<vmem>>
      %dma_wait3A_50 = tpu.memref_squeeze %dma_wait3A_49 : memref<1x80xi32, #tpu.memory_space<vmem>> -> memref<80xi32, #tpu.memory_space<vmem>>
      %dma_wait3A_51 = arith.constant 0 : i32
      %dma_wait3A_52 = arith.constant 0 : i32
      %dma_wait3A_53 = tpu.memref_slice %arg10[%dma_wait3A_51, %dma_wait3A_52] : memref<10240x128xf32, #tpu.memory_space<vmem_shared>> -> memref<10240x128xf32, #tpu.memory_space<vmem_shared>>
      tpu.wait_indirect_dma semaphore(%arg13 : memref<!tpu.dma_semaphore, #tpu.memory_space<semaphore_mem>>) src(%arg8 : memref<80x128xf32, #tpu.memory_space<vmem>>) dst(%dma_wait3A_53 : memref<10240x128xf32, #tpu.memory_space<vmem_shared>>)
      %dma_start3A_54 = arith.constant 2 : i32
      %dma_start3A_55 = arith.constant 0 : i32
      %dma_start3A_56 = tpu.memref_slice %arg6[%dma_start3A_54, %dma_start3A_55] : memref<25x80xi32, #tpu.memory_space<vmem>> -> memref<1x80xi32, #tpu.memory_space<vmem>>
      %dma_start3A_57 = tpu.memref_squeeze %dma_start3A_56 : memref<1x80xi32, #tpu.memory_space<vmem>> -> memref<80xi32, #tpu.memory_space<vmem>>
      %dma_start3A_58 = arith.constant 0 : i32
      %dma_start3A_59 = arith.constant 0 : i32
      %dma_start3A_60 = tpu.memref_slice %arg2[%dma_start3A_58, %dma_start3A_59] : memref<10000x128xf32, #tpu.memory_space<hbm>> -> memref<10000x128xf32, #tpu.memory_space<hbm>>
      tpu.enqueue_indirect_dma source(%dma_start3A_60 : memref<10000x128xf32, #tpu.memory_space<hbm>>) target(%arg8 : memref<80x128xf32, #tpu.memory_space<vmem>>) offsets(%dma_start3A_57 : memref<80xi32, #tpu.memory_space<vmem>>) semaphore(%arg11 : memref<!tpu.dma_semaphore, #tpu.memory_space<semaphore_mem>>)
      %dma_start3A_61 = arith.constant 1 : i32
      %dma_start3A_62 = arith.constant 0 : i32
      %dma_start3A_63 = tpu.memref_slice %arg7[%dma_start3A_61, %dma_start3A_62] : memref<25x80xi32, #tpu.memory_space<vmem>> -> memref<1x80xi32, #tpu.memory_space<vmem>>
      %dma_start3A_64 = tpu.memref_squeeze %dma_start3A_63 : memref<1x80xi32, #tpu.memory_space<vmem>> -> memref<80xi32, #tpu.memory_space<vmem>>
      %dma_start3A_65 = arith.constant 0 : i32
      %dma_start3A_66 = arith.constant 0 : i32
      %dma_start3A_67 = tpu.memref_slice %arg10[%dma_start3A_65, %dma_start3A_66] : memref<10240x128xf32, #tpu.memory_space<vmem_shared>> -> memref<10240x128xf32, #tpu.memory_space<vmem_shared>>
      tpu.enqueue_indirect_dma source(%arg9 : memref<80x128xf32, #tpu.memory_space<vmem>>) target(%dma_start3A_67 : memref<10240x128xf32, #tpu.memory_space<vmem_shared>>) offsets(%dma_start3A_64 : memref<80xi32, #tpu.memory_space<vmem>>) semaphore(%arg14 : memref<!tpu.dma_semaphore, #tpu.memory_space<semaphore_mem>>) {add = true}
      %scan3A_68 = arith.constant 0 : i32
      %scan3A_69 = arith.constant 11 : i32
      %scan3A_70 = arith.addi %scan3A_68, %scan3A_69 : i32
      %scan3A_71 = arith.constant 1 : i32
      scf.for %scan3A_88 = %scan3A_68 to %scan3A_70 step %scan3A_71  : i32 {
        %mul3A_89 = arith.constant 1 : i32
        %mul3A_90 = arith.muli %scan3A_88, %mul3A_89 : i32
        %add3A_91 = arith.constant 1 : i32
        %add3A_92 = arith.addi %add3A_91, %mul3A_90 : i32
        %mul3A_93 = arith.constant 2 : i32
        %mul3A_94 = arith.muli %mul3A_93, %add3A_92 : i32
        %add3A_95 = arith.constant 1 : i32
        %add3A_96 = arith.addi %mul3A_94, %add3A_95 : i32
        %dma_wait3A_97 = arith.constant 0 : i32
        %dma_wait3A_98 = tpu.memref_slice %arg7[%add3A_96, %dma_wait3A_97] : memref<25x80xi32, #tpu.memory_space<vmem>> -> memref<1x80xi32, #tpu.memory_space<vmem>>
        %dma_wait3A_99 = tpu.memref_squeeze %dma_wait3A_98 : memref<1x80xi32, #tpu.memory_space<vmem>> -> memref<80xi32, #tpu.memory_space<vmem>>
        %dma_wait3A_100 = arith.constant 0 : i32
        %dma_wait3A_101 = arith.constant 0 : i32
        %dma_wait3A_102 = tpu.memref_slice %arg10[%dma_wait3A_100, %dma_wait3A_101] : memref<10240x128xf32, #tpu.memory_space<vmem_shared>> -> memref<10240x128xf32, #tpu.memory_space<vmem_shared>>
        tpu.wait_indirect_dma semaphore(%arg14 : memref<!tpu.dma_semaphore, #tpu.memory_space<semaphore_mem>>) src(%arg9 : memref<80x128xf32, #tpu.memory_space<vmem>>) dst(%dma_wait3A_102 : memref<10240x128xf32, #tpu.memory_space<vmem_shared>>)
        %dma_start3A_103 = arith.constant 0 : i32
        %dma_start3A_104 = tpu.memref_slice %arg6[%add3A_96, %dma_start3A_103] : memref<25x80xi32, #tpu.memory_space<vmem>> -> memref<1x80xi32, #tpu.memory_space<vmem>>
        %dma_start3A_105 = tpu.memref_squeeze %dma_start3A_104 : memref<1x80xi32, #tpu.memory_space<vmem>> -> memref<80xi32, #tpu.memory_space<vmem>>
        %dma_start3A_106 = arith.constant 0 : i32
        %dma_start3A_107 = arith.constant 0 : i32
        %dma_start3A_108 = tpu.memref_slice %arg2[%dma_start3A_106, %dma_start3A_107] : memref<10000x128xf32, #tpu.memory_space<hbm>> -> memref<10000x128xf32, #tpu.memory_space<hbm>>
        tpu.enqueue_indirect_dma source(%dma_start3A_108 : memref<10000x128xf32, #tpu.memory_space<hbm>>) target(%arg9 : memref<80x128xf32, #tpu.memory_space<vmem>>) offsets(%dma_start3A_105 : memref<80xi32, #tpu.memory_space<vmem>>) semaphore(%arg12 : memref<!tpu.dma_semaphore, #tpu.memory_space<semaphore_mem>>)
        %dma_wait3A_109 = arith.constant 0 : i32
        %dma_wait3A_110 = tpu.memref_slice %arg6[%mul3A_94, %dma_wait3A_109] : memref<25x80xi32, #tpu.memory_space<vmem>> -> memref<1x80xi32, #tpu.memory_space<vmem>>
        %dma_wait3A_111 = tpu.memref_squeeze %dma_wait3A_110 : memref<1x80xi32, #tpu.memory_space<vmem>> -> memref<80xi32, #tpu.memory_space<vmem>>
        %dma_wait3A_112 = arith.constant 0 : i32
        %dma_wait3A_113 = arith.constant 0 : i32
        %dma_wait3A_114 = tpu.memref_slice %arg2[%dma_wait3A_112, %dma_wait3A_113] : memref<10000x128xf32, #tpu.memory_space<hbm>> -> memref<10000x128xf32, #tpu.memory_space<hbm>>
        tpu.wait_indirect_dma semaphore(%arg11 : memref<!tpu.dma_semaphore, #tpu.memory_space<semaphore_mem>>) src(%dma_wait3A_114 : memref<10000x128xf32, #tpu.memory_space<hbm>>) dst(%arg8 : memref<80x128xf32, #tpu.memory_space<vmem>>)
        %dma_start3A_115 = arith.constant 0 : i32
        %dma_start3A_116 = tpu.memref_slice %arg7[%mul3A_94, %dma_start3A_115] : memref<25x80xi32, #tpu.memory_space<vmem>> -> memref<1x80xi32, #tpu.memory_space<vmem>>
        %dma_start3A_117 = tpu.memref_squeeze %dma_start3A_116 : memref<1x80xi32, #tpu.memory_space<vmem>> -> memref<80xi32, #tpu.memory_space<vmem>>
        %dma_start3A_118 = arith.constant 0 : i32
        %dma_start3A_119 = arith.constant 0 : i32
        %dma_start3A_120 = tpu.memref_slice %arg10[%dma_start3A_118, %dma_start3A_119] : memref<10240x128xf32, #tpu.memory_space<vmem_shared>> -> memref<10240x128xf32, #tpu.memory_space<vmem_shared>>
        tpu.enqueue_indirect_dma source(%arg8 : memref<80x128xf32, #tpu.memory_space<vmem>>) target(%dma_start3A_120 : memref<10240x128xf32, #tpu.memory_space<vmem_shared>>) offsets(%dma_start3A_117 : memref<80xi32, #tpu.memory_space<vmem>>) semaphore(%arg13 : memref<!tpu.dma_semaphore, #tpu.memory_space<semaphore_mem>>) {add = true}
        %dma_wait3A_121 = arith.constant 0 : i32
        %dma_wait3A_122 = tpu.memref_slice %arg6[%add3A_96, %dma_wait3A_121] : memref<25x80xi32, #tpu.memory_space<vmem>> -> memref<1x80xi32, #tpu.memory_space<vmem>>
        %dma_wait3A_123 = tpu.memref_squeeze %dma_wait3A_122 : memref<1x80xi32, #tpu.memory_space<vmem>> -> memref<80xi32, #tpu.memory_space<vmem>>
        %dma_wait3A_124 = arith.constant 0 : i32
        %dma_wait3A_125 = arith.constant 0 : i32
        %dma_wait3A_126 = tpu.memref_slice %arg2[%dma_wait3A_124, %dma_wait3A_125] : memref<10000x128xf32, #tpu.memory_space<hbm>> -> memref<10000x128xf32, #tpu.memory_space<hbm>>
        tpu.wait_indirect_dma semaphore(%arg12 : memref<!tpu.dma_semaphore, #tpu.memory_space<semaphore_mem>>) src(%dma_wait3A_126 : memref<10000x128xf32, #tpu.memory_space<hbm>>) dst(%arg9 : memref<80x128xf32, #tpu.memory_space<vmem>>)
        %dma_wait3A_127 = arith.constant 0 : i32
        %dma_wait3A_128 = tpu.memref_slice %arg7[%mul3A_94, %dma_wait3A_127] : memref<25x80xi32, #tpu.memory_space<vmem>> -> memref<1x80xi32, #tpu.memory_space<vmem>>
        %dma_wait3A_129 = tpu.memref_squeeze %dma_wait3A_128 : memref<1x80xi32, #tpu.memory_space<vmem>> -> memref<80xi32, #tpu.memory_space<vmem>>
        %dma_wait3A_130 = arith.constant 0 : i32
        %dma_wait3A_131 = arith.constant 0 : i32
        %dma_wait3A_132 = tpu.memref_slice %arg10[%dma_wait3A_130, %dma_wait3A_131] : memref<10240x128xf32, #tpu.memory_space<vmem_shared>> -> memref<10240x128xf32, #tpu.memory_space<vmem_shared>>
        tpu.wait_indirect_dma semaphore(%arg13 : memref<!tpu.dma_semaphore, #tpu.memory_space<semaphore_mem>>) src(%arg8 : memref<80x128xf32, #tpu.memory_space<vmem>>) dst(%dma_wait3A_132 : memref<10240x128xf32, #tpu.memory_space<vmem_shared>>)
        %add3A_133 = arith.constant 2 : i32
        %add3A_134 = arith.addi %mul3A_94, %add3A_133 : i32
        %dma_start3A_135 = arith.constant 0 : i32
        %dma_start3A_136 = tpu.memref_slice %arg6[%add3A_134, %dma_start3A_135] : memref<25x80xi32, #tpu.memory_space<vmem>> -> memref<1x80xi32, #tpu.memory_space<vmem>>
        %dma_start3A_137 = tpu.memref_squeeze %dma_start3A_136 : memref<1x80xi32, #tpu.memory_space<vmem>> -> memref<80xi32, #tpu.memory_space<vmem>>
        %dma_start3A_138 = arith.constant 0 : i32
        %dma_start3A_139 = arith.constant 0 : i32
        %dma_start3A_140 = tpu.memref_slice %arg2[%dma_start3A_138, %dma_start3A_139] : memref<10000x128xf32, #tpu.memory_space<hbm>> -> memref<10000x128xf32, #tpu.memory_space<hbm>>
        tpu.enqueue_indirect_dma source(%dma_start3A_140 : memref<10000x128xf32, #tpu.memory_space<hbm>>) target(%arg8 : memref<80x128xf32, #tpu.memory_space<vmem>>) offsets(%dma_start3A_137 : memref<80xi32, #tpu.memory_space<vmem>>) semaphore(%arg11 : memref<!tpu.dma_semaphore, #tpu.memory_space<semaphore_mem>>)
        %dma_start3A_141 = arith.constant 0 : i32
        %dma_start3A_142 = tpu.memref_slice %arg7[%add3A_96, %dma_start3A_141] : memref<25x80xi32, #tpu.memory_space<vmem>> -> memref<1x80xi32, #tpu.memory_space<vmem>>
        %dma_start3A_143 = tpu.memref_squeeze %dma_start3A_142 : memref<1x80xi32, #tpu.memory_space<vmem>> -> memref<80xi32, #tpu.memory_space<vmem>>
        %dma_start3A_144 = arith.constant 0 : i32
        %dma_start3A_145 = arith.constant 0 : i32
        %dma_start3A_146 = tpu.memref_slice %arg10[%dma_start3A_144, %dma_start3A_145] : memref<10240x128xf32, #tpu.memory_space<vmem_shared>> -> memref<10240x128xf32, #tpu.memory_space<vmem_shared>>
        tpu.enqueue_indirect_dma source(%arg9 : memref<80x128xf32, #tpu.memory_space<vmem>>) target(%dma_start3A_146 : memref<10240x128xf32, #tpu.memory_space<vmem_shared>>) offsets(%dma_start3A_143 : memref<80xi32, #tpu.memory_space<vmem>>) semaphore(%arg14 : memref<!tpu.dma_semaphore, #tpu.memory_space<semaphore_mem>>) {add = true}
      }
      %scan3A_72 = arith.constant 11 : i32
      %dma_wait3A_73 = arith.constant 23 : i32
      %dma_wait3A_74 = arith.constant 0 : i32
      %dma_wait3A_75 = tpu.memref_slice %arg7[%dma_wait3A_73, %dma_wait3A_74] : memref<25x80xi32, #tpu.memory_space<vmem>> -> memref<1x80xi32, #tpu.memory_space<vmem>>
      %dma_wait3A_76 = tpu.memref_squeeze %dma_wait3A_75 : memref<1x80xi32, #tpu.memory_space<vmem>> -> memref<80xi32, #tpu.memory_space<vmem>>
      %dma_wait3A_77 = arith.constant 0 : i32
      %dma_wait3A_78 = arith.constant 0 : i32
      %dma_wait3A_79 = tpu.memref_slice %arg10[%dma_wait3A_77, %dma_wait3A_78] : memref<10240x128xf32, #tpu.memory_space<vmem_shared>> -> memref<10240x128xf32, #tpu.memory_space<vmem_shared>>
      tpu.wait_indirect_dma semaphore(%arg14 : memref<!tpu.dma_semaphore, #tpu.memory_space<semaphore_mem>>) src(%arg9 : memref<80x128xf32, #tpu.memory_space<vmem>>) dst(%dma_wait3A_79 : memref<10240x128xf32, #tpu.memory_space<vmem_shared>>)
      %dma_wait3A_80 = arith.constant 24 : i32
      %dma_wait3A_81 = arith.constant 0 : i32
      %dma_wait3A_82 = tpu.memref_slice %arg6[%dma_wait3A_80, %dma_wait3A_81] : memref<25x80xi32, #tpu.memory_space<vmem>> -> memref<1x80xi32, #tpu.memory_space<vmem>>
      %dma_wait3A_83 = tpu.memref_squeeze %dma_wait3A_82 : memref<1x80xi32, #tpu.memory_space<vmem>> -> memref<80xi32, #tpu.memory_space<vmem>>
      %dma_wait3A_84 = arith.constant 0 : i32
      %dma_wait3A_85 = arith.constant 0 : i32
      %dma_wait3A_86 = tpu.memref_slice %arg2[%dma_wait3A_84, %dma_wait3A_85] : memref<10000x128xf32, #tpu.memory_space<hbm>> -> memref<10000x128xf32, #tpu.memory_space<hbm>>
      tpu.wait_indirect_dma semaphore(%arg11 : memref<!tpu.dma_semaphore, #tpu.memory_space<semaphore_mem>>) src(%dma_wait3A_86 : memref<10000x128xf32, #tpu.memory_space<hbm>>) dst(%arg8 : memref<80x128xf32, #tpu.memory_space<vmem>>)
      %run_scoped3A_87 = arith.constant 24 : i32
      "tpu.region"() ({
        %run_scoped3A_88 = tpu.sem_alloc : memref<!tpu.dma_semaphore, #tpu.memory_space<semaphore_mem>>
        %dma_start3A_89 = arith.constant 0 : i32
        %dma_start3A_90 = tpu.memref_slice %arg7[%run_scoped3A_87, %dma_start3A_89] : memref<25x80xi32, #tpu.memory_space<vmem>> -> memref<1x80xi32, #tpu.memory_space<vmem>>
        %dma_start3A_91 = tpu.memref_squeeze %dma_start3A_90 : memref<1x80xi32, #tpu.memory_space<vmem>> -> memref<80xi32, #tpu.memory_space<vmem>>
        %dma_start3A_92 = arith.constant 0 : i32
        %dma_start3A_93 = arith.constant 0 : i32
        %dma_start3A_94 = tpu.memref_slice %arg10[%dma_start3A_92, %dma_start3A_93] : memref<10240x128xf32, #tpu.memory_space<vmem_shared>> -> memref<10240x128xf32, #tpu.memory_space<vmem_shared>>
        tpu.enqueue_indirect_dma source(%arg8 : memref<80x128xf32, #tpu.memory_space<vmem>>) target(%dma_start3A_94 : memref<10240x128xf32, #tpu.memory_space<vmem_shared>>) offsets(%dma_start3A_91 : memref<80xi32, #tpu.memory_space<vmem>>) semaphore(%run_scoped3A_88 : memref<!tpu.dma_semaphore, #tpu.memory_space<semaphore_mem>>) {add = true}
        %dma_wait3A_95 = arith.constant 0 : i32
        %dma_wait3A_96 = tpu.memref_slice %arg7[%run_scoped3A_87, %dma_wait3A_95] : memref<25x80xi32, #tpu.memory_space<vmem>> -> memref<1x80xi32, #tpu.memory_space<vmem>>
        %dma_wait3A_97 = tpu.memref_squeeze %dma_wait3A_96 : memref<1x80xi32, #tpu.memory_space<vmem>> -> memref<80xi32, #tpu.memory_space<vmem>>
        %dma_wait3A_98 = arith.constant 0 : i32
        %dma_wait3A_99 = arith.constant 0 : i32
        %dma_wait3A_100 = tpu.memref_slice %arg10[%dma_wait3A_98, %dma_wait3A_99] : memref<10240x128xf32, #tpu.memory_space<vmem_shared>> -> memref<10240x128xf32, #tpu.memory_space<vmem_shared>>
        tpu.wait_indirect_dma semaphore(%run_scoped3A_88 : memref<!tpu.dma_semaphore, #tpu.memory_space<semaphore_mem>>) src(%arg8 : memref<80x128xf32, #tpu.memory_space<vmem>>) dst(%dma_wait3A_100 : memref<10240x128xf32, #tpu.memory_space<vmem_shared>>)
        tpu.yield
      }) : () -> ()
    }
    %scan3A_6 = arith.constant 5 : i32
    %barrier3A_7 = arith.constant 0 : index
    tpu.barrier barrier_id(%barrier3A_7)
    "tpu.region"() ({
      %run_scoped3A = tpu.sem_alloc : memref<!tpu.dma_semaphore, #tpu.memory_space<semaphore_mem>>
      %dma_start3A = arith.constant 0 : i32
      %dma_start3A_8 = tpu.memref_slice %arg5[%arg0, %mul3A_2, %dma_start3A] : memref<2x10240x128xf32, #tpu.memory_space<hbm>> -> memref<1x640x128xf32, #tpu.memory_space<hbm>>
      %dma_start3A_9 = tpu.memref_squeeze %dma_start3A_8 : memref<1x640x128xf32, #tpu.memory_space<hbm>> -> memref<640x128xf32, #tpu.memory_space<hbm>>
      %dma_start3A_10 = arith.constant 0 : i32
      %dma_start3A_11 = tpu.memref_slice %arg10[%mul3A_2, %dma_start3A_10] : memref<10240x128xf32, #tpu.memory_space<vmem_shared>> -> memref<640x128xf32, #tpu.memory_space<vmem_shared>>
      tpu.enqueue_dma source(%dma_start3A_11 : memref<640x128xf32, #tpu.memory_space<vmem_shared>>) target(%dma_start3A_9 : memref<640x128xf32, #tpu.memory_space<hbm>>) target_semaphore(%run_scoped3A : memref<!tpu.dma_semaphore, #tpu.memory_space<semaphore_mem>>)
      %dma_wait3A = arith.constant 0 : i32
      %dma_wait3A_12 = tpu.memref_slice %arg5[%arg0, %mul3A_2, %dma_wait3A] : memref<2x10240x128xf32, #tpu.memory_space<hbm>> -> memref<1x640x128xf32, #tpu.memory_space<hbm>>
      %dma_wait3A_13 = tpu.memref_squeeze %dma_wait3A_12 : memref<1x640x128xf32, #tpu.memory_space<hbm>> -> memref<640x128xf32, #tpu.memory_space<hbm>>
      %dma_wait3A_14 = arith.constant 0 : i32
      %dma_wait3A_15 = tpu.memref_slice %arg10[%mul3A_2, %dma_wait3A_14] : memref<10240x128xf32, #tpu.memory_space<vmem_shared>> -> memref<640x128xf32, #tpu.memory_space<vmem_shared>>
      tpu.wait_dma2 semaphore(%run_scoped3A : memref<!tpu.dma_semaphore, #tpu.memory_space<semaphore_mem>>) src(%dma_wait3A_15 : memref<640x128xf32, #tpu.memory_space<vmem_shared>>) dst(%dma_wait3A_13 : memref<640x128xf32, #tpu.memory_space<hbm>>)
      tpu.yield
    }) : () -> ()
    return
  }
}

#map = affine_map<(d0, d1) -> (0, 0)>
#map1 = affine_map<(d0, d1) -> (0, 0, 0, 0, 0)>
#map2 = affine_map<(d0, d1) -> (0)>
#map3 = affine_map<(d0, d1) -> (0, 0, 0)>
module attributes {stable_mosaic.version = 14 : i64} {
  func.func @_sc_agg_body(%arg0: i32, %arg1: i32, %arg2: memref<10000x128xf32, #tpu.memory_space<hbm>>, %arg3: memref<2x32x5x25x80xi32, #tpu.memory_space<hbm>>, %arg4: memref<640x128xf32, #tpu.memory_space<hbm>>, %arg5: memref<640xf32, #tpu.memory_space<hbm>>, %arg6: memref<2x10240x128xf32, #tpu.memory_space<hbm>>, %arg7: memref<20480xf32, #tpu.memory_space<hbm>>, %arg8: memref<25x80xi32, #tpu.memory_space<vmem>>, %arg9: memref<25x80xi32, #tpu.memory_space<vmem>>, %arg10: memref<80x128xf32, #tpu.memory_space<vmem>>, %arg11: memref<80x128xf32, #tpu.memory_space<vmem>>, %arg12: memref<80xf32, #tpu.memory_space<vmem>>, %arg13: memref<10240x128xf32, #tpu.memory_space<vmem_shared>>, %arg14: memref<10240xf32, #tpu.memory_space<vmem_shared>>, %arg15: memref<!tpu.dma_semaphore, #tpu.memory_space<semaphore_mem>>, %arg16: memref<!tpu.dma_semaphore, #tpu.memory_space<semaphore_mem>>, %arg17: memref<!tpu.dma_semaphore, #tpu.memory_space<semaphore_mem>>, %arg18: memref<!tpu.dma_semaphore, #tpu.memory_space<semaphore_mem>>) attributes {dimension_semantics = [#tpu.dimension_semantics<core_parallel>, #tpu.dimension_semantics<subcore_parallel>], iteration_bounds = array<i64: 2, 16>, scalar_prefetch = 0 : i64, scratch_operands = 11 : i64, tpu.core_type = #tpu.core_type<sc_vector_subcore>, window_params = [{transform_indices = #map}, {transform_indices = #map1}, {transform_indices = #map}, {transform_indices = #map2}, {transform_indices = #map3}, {transform_indices = #map2}]} {
    %mul3A = arith.constant 16 : i32
    %mul3A_0 = arith.muli %arg0, %mul3A : i32
    %add3A = arith.addi %mul3A_0, %arg1 : i32
    %mul3A_1 = arith.constant 640 : i32
    %mul3A_2 = arith.muli %arg1, %mul3A_1 : i32
    "tpu.region"() ({
      %run_scoped3A = tpu.sem_alloc : memref<!tpu.dma_semaphore, #tpu.memory_space<semaphore_mem>>
      %dma_start3A = arith.constant 0 : i32
      %dma_start3A_16 = tpu.memref_slice %arg13[%mul3A_2, %dma_start3A] : memref<10240x128xf32, #tpu.memory_space<vmem_shared>> -> memref<640x128xf32, #tpu.memory_space<vmem_shared>>
      tpu.enqueue_dma source(%arg4 : memref<640x128xf32, #tpu.memory_space<hbm>>) target(%dma_start3A_16 : memref<640x128xf32, #tpu.memory_space<vmem_shared>>) target_semaphore(%run_scoped3A : memref<!tpu.dma_semaphore, #tpu.memory_space<semaphore_mem>>)
      %dma_wait3A = arith.constant 0 : i32
      %dma_wait3A_17 = tpu.memref_slice %arg13[%mul3A_2, %dma_wait3A] : memref<10240x128xf32, #tpu.memory_space<vmem_shared>> -> memref<640x128xf32, #tpu.memory_space<vmem_shared>>
      tpu.wait_dma2 semaphore(%run_scoped3A : memref<!tpu.dma_semaphore, #tpu.memory_space<semaphore_mem>>) src(%arg4 : memref<640x128xf32, #tpu.memory_space<hbm>>) dst(%dma_wait3A_17 : memref<640x128xf32, #tpu.memory_space<vmem_shared>>)
      tpu.yield
    }) : () -> ()
    "tpu.region"() ({
      %run_scoped3A = tpu.sem_alloc : memref<!tpu.dma_semaphore, #tpu.memory_space<semaphore_mem>>
      %dma_start3A = tpu.memref_slice %arg14[%mul3A_2] : memref<10240xf32, #tpu.memory_space<vmem_shared>> -> memref<640xf32, #tpu.memory_space<vmem_shared>>
      tpu.enqueue_dma source(%arg5 : memref<640xf32, #tpu.memory_space<hbm>>) target(%dma_start3A : memref<640xf32, #tpu.memory_space<vmem_shared>>) target_semaphore(%run_scoped3A : memref<!tpu.dma_semaphore, #tpu.memory_space<semaphore_mem>>)
      %dma_wait3A = tpu.memref_slice %arg14[%mul3A_2] : memref<10240xf32, #tpu.memory_space<vmem_shared>> -> memref<640xf32, #tpu.memory_space<vmem_shared>>
      tpu.wait_dma2 semaphore(%run_scoped3A : memref<!tpu.dma_semaphore, #tpu.memory_space<semaphore_mem>>) src(%arg5 : memref<640xf32, #tpu.memory_space<hbm>>) dst(%dma_wait3A : memref<640xf32, #tpu.memory_space<vmem_shared>>)
      tpu.yield
    }) : () -> ()
    %scan3A = arith.constant 0 : i32
    %scan3A_3 = arith.constant 5 : i32
    %scan3A_4 = arith.addi %scan3A, %scan3A_3 : i32
    %scan3A_5 = arith.constant 1 : i32
    scf.for %scan3A_16 = %scan3A to %scan3A_4 step %scan3A_5  : i32 {
      %mul3A_17 = arith.constant 1 : i32
      %mul3A_18 = arith.muli %scan3A_16, %mul3A_17 : i32
      %add3A_19 = arith.constant 0 : i32
      %add3A_20 = arith.addi %add3A_19, %mul3A_18 : i32
      %broadcast_in_dim3A = arith.constant 1.000000e+00 : f32
      %broadcast_in_dim3A_21 = vector.broadcast %broadcast_in_dim3A : f32 to vector<16xf32>
      %mul3A_22 = arith.constant 16 : i32
      %mul3A_23 = arith.muli %add3A_20, %mul3A_22 : i32
      %swap3A = arith.index_cast %mul3A_23 : i32 to index
      %swap3A_24 = tpu.vector_load %arg12[%swap3A] {strides = array<i32>} : memref<80xf32, #tpu.memory_space<vmem>>, vector<16xf32>,
      %swap3A_25 = vector.shape_cast %swap3A_24 : vector<16xf32> to vector<16xf32>
      %swap3A_26 = vector.shape_cast %broadcast_in_dim3A_21 : vector<16xf32> to vector<16xf32>
      tpu.vector_store %arg12[%swap3A], %swap3A_26 {strides = array<i32>} : memref<80xf32, #tpu.memory_space<vmem>>, vector<16xf32>,
    }
    %scan3A_6 = arith.constant 5 : i32
    %barrier3A = arith.constant 0 : index
    tpu.barrier barrier_id(%barrier3A)
    %scan3A_7 = arith.constant 0 : i32
    %scan3A_8 = arith.constant 5 : i32
    %scan3A_9 = arith.addi %scan3A_7, %scan3A_8 : i32
    %scan3A_10 = arith.constant 1 : i32
    scf.for %scan3A_16 = %scan3A_7 to %scan3A_9 step %scan3A_10  : i32 {
      %mul3A_17 = arith.constant 1 : i32
      %mul3A_18 = arith.muli %scan3A_16, %mul3A_17 : i32
      %add3A_19 = arith.constant 0 : i32
      %add3A_20 = arith.addi %add3A_19, %mul3A_18 : i32
      %run_scoped3A = arith.constant 0 : i32
      "tpu.region"() ({
        %run_scoped3A_99 = tpu.sem_alloc : memref<!tpu.dma_semaphore, #tpu.memory_space<semaphore_mem>>
        %dma_start3A_100 = arith.constant 0 : i32
        %dma_start3A_101 = arith.constant 0 : i32
        %dma_start3A_102 = tpu.memref_slice %arg3[%run_scoped3A, %add3A, %add3A_20, %dma_start3A_100, %dma_start3A_101] : memref<2x32x5x25x80xi32, #tpu.memory_space<hbm>> -> memref<1x1x1x25x80xi32, #tpu.memory_space<hbm>>
        %dma_start3A_103 = tpu.memref_squeeze %dma_start3A_102 : memref<1x1x1x25x80xi32, #tpu.memory_space<hbm>> -> memref<25x80xi32, #tpu.memory_space<hbm>>
        %dma_start3A_104 = arith.constant 0 : i32
        %dma_start3A_105 = arith.constant 0 : i32
        %dma_start3A_106 = tpu.memref_slice %arg3[%run_scoped3A, %add3A, %add3A_20, %dma_start3A_104, %dma_start3A_105] : memref<2x32x5x25x80xi32, #tpu.memory_space<hbm>> -> memref<1x1x1x25x80xi32, #tpu.memory_space<hbm>>
        %dma_start3A_107 = tpu.memref_squeeze %dma_start3A_106 : memref<1x1x1x25x80xi32, #tpu.memory_space<hbm>> -> memref<25x80xi32, #tpu.memory_space<hbm>>
        tpu.enqueue_dma source(%dma_start3A_107 : memref<25x80xi32, #tpu.memory_space<hbm>>) target(%arg8 : memref<25x80xi32, #tpu.memory_space<vmem>>) target_semaphore(%run_scoped3A_99 : memref<!tpu.dma_semaphore, #tpu.memory_space<semaphore_mem>>)
        %dma_wait3A_108 = arith.constant 0 : i32
        %dma_wait3A_109 = arith.constant 0 : i32
        %dma_wait3A_110 = tpu.memref_slice %arg3[%run_scoped3A, %add3A, %add3A_20, %dma_wait3A_108, %dma_wait3A_109] : memref<2x32x5x25x80xi32, #tpu.memory_space<hbm>> -> memref<1x1x1x25x80xi32, #tpu.memory_space<hbm>>
        %dma_wait3A_111 = tpu.memref_squeeze %dma_wait3A_110 : memref<1x1x1x25x80xi32, #tpu.memory_space<hbm>> -> memref<25x80xi32, #tpu.memory_space<hbm>>
        %dma_wait3A_112 = arith.constant 0 : i32
        %dma_wait3A_113 = arith.constant 0 : i32
        %dma_wait3A_114 = tpu.memref_slice %arg3[%run_scoped3A, %add3A, %add3A_20, %dma_wait3A_112, %dma_wait3A_113] : memref<2x32x5x25x80xi32, #tpu.memory_space<hbm>> -> memref<1x1x1x25x80xi32, #tpu.memory_space<hbm>>
        %dma_wait3A_115 = tpu.memref_squeeze %dma_wait3A_114 : memref<1x1x1x25x80xi32, #tpu.memory_space<hbm>> -> memref<25x80xi32, #tpu.memory_space<hbm>>
        tpu.wait_dma2 semaphore(%run_scoped3A_99 : memref<!tpu.dma_semaphore, #tpu.memory_space<semaphore_mem>>) src(%dma_wait3A_115 : memref<25x80xi32, #tpu.memory_space<hbm>>) dst(%arg8 : memref<25x80xi32, #tpu.memory_space<vmem>>)
        tpu.yield
      }) : () -> ()
      %run_scoped3A_21 = arith.constant 1 : i32
      "tpu.region"() ({
        %run_scoped3A_99 = tpu.sem_alloc : memref<!tpu.dma_semaphore, #tpu.memory_space<semaphore_mem>>
        %dma_start3A_100 = arith.constant 0 : i32
        %dma_start3A_101 = arith.constant 0 : i32
        %dma_start3A_102 = tpu.memref_slice %arg3[%run_scoped3A_21, %add3A, %add3A_20, %dma_start3A_100, %dma_start3A_101] : memref<2x32x5x25x80xi32, #tpu.memory_space<hbm>> -> memref<1x1x1x25x80xi32, #tpu.memory_space<hbm>>
        %dma_start3A_103 = tpu.memref_squeeze %dma_start3A_102 : memref<1x1x1x25x80xi32, #tpu.memory_space<hbm>> -> memref<25x80xi32, #tpu.memory_space<hbm>>
        %dma_start3A_104 = arith.constant 0 : i32
        %dma_start3A_105 = arith.constant 0 : i32
        %dma_start3A_106 = tpu.memref_slice %arg3[%run_scoped3A_21, %add3A, %add3A_20, %dma_start3A_104, %dma_start3A_105] : memref<2x32x5x25x80xi32, #tpu.memory_space<hbm>> -> memref<1x1x1x25x80xi32, #tpu.memory_space<hbm>>
        %dma_start3A_107 = tpu.memref_squeeze %dma_start3A_106 : memref<1x1x1x25x80xi32, #tpu.memory_space<hbm>> -> memref<25x80xi32, #tpu.memory_space<hbm>>
        tpu.enqueue_dma source(%dma_start3A_107 : memref<25x80xi32, #tpu.memory_space<hbm>>) target(%arg9 : memref<25x80xi32, #tpu.memory_space<vmem>>) target_semaphore(%run_scoped3A_99 : memref<!tpu.dma_semaphore, #tpu.memory_space<semaphore_mem>>)
        %dma_wait3A_108 = arith.constant 0 : i32
        %dma_wait3A_109 = arith.constant 0 : i32
        %dma_wait3A_110 = tpu.memref_slice %arg3[%run_scoped3A_21, %add3A, %add3A_20, %dma_wait3A_108, %dma_wait3A_109] : memref<2x32x5x25x80xi32, #tpu.memory_space<hbm>> -> memref<1x1x1x25x80xi32, #tpu.memory_space<hbm>>
        %dma_wait3A_111 = tpu.memref_squeeze %dma_wait3A_110 : memref<1x1x1x25x80xi32, #tpu.memory_space<hbm>> -> memref<25x80xi32, #tpu.memory_space<hbm>>
        %dma_wait3A_112 = arith.constant 0 : i32
        %dma_wait3A_113 = arith.constant 0 : i32
        %dma_wait3A_114 = tpu.memref_slice %arg3[%run_scoped3A_21, %add3A, %add3A_20, %dma_wait3A_112, %dma_wait3A_113] : memref<2x32x5x25x80xi32, #tpu.memory_space<hbm>> -> memref<1x1x1x25x80xi32, #tpu.memory_space<hbm>>
        %dma_wait3A_115 = tpu.memref_squeeze %dma_wait3A_114 : memref<1x1x1x25x80xi32, #tpu.memory_space<hbm>> -> memref<25x80xi32, #tpu.memory_space<hbm>>
        tpu.wait_dma2 semaphore(%run_scoped3A_99 : memref<!tpu.dma_semaphore, #tpu.memory_space<semaphore_mem>>) src(%dma_wait3A_115 : memref<25x80xi32, #tpu.memory_space<hbm>>) dst(%arg9 : memref<25x80xi32, #tpu.memory_space<vmem>>)
        tpu.yield
      }) : () -> ()
      %dma_start3A = arith.constant 0 : i32
      %dma_start3A_22 = arith.constant 0 : i32
      %dma_start3A_23 = tpu.memref_slice %arg8[%dma_start3A, %dma_start3A_22] : memref<25x80xi32, #tpu.memory_space<vmem>> -> memref<1x80xi32, #tpu.memory_space<vmem>>
      %dma_start3A_24 = tpu.memref_squeeze %dma_start3A_23 : memref<1x80xi32, #tpu.memory_space<vmem>> -> memref<80xi32, #tpu.memory_space<vmem>>
      %dma_start3A_25 = arith.constant 0 : i32
      %dma_start3A_26 = arith.constant 0 : i32
      %dma_start3A_27 = tpu.memref_slice %arg2[%dma_start3A_25, %dma_start3A_26] : memref<10000x128xf32, #tpu.memory_space<hbm>> -> memref<10000x128xf32, #tpu.memory_space<hbm>>
      tpu.enqueue_indirect_dma source(%dma_start3A_27 : memref<10000x128xf32, #tpu.memory_space<hbm>>) target(%arg10 : memref<80x128xf32, #tpu.memory_space<vmem>>) offsets(%dma_start3A_24 : memref<80xi32, #tpu.memory_space<vmem>>) semaphore(%arg15 : memref<!tpu.dma_semaphore, #tpu.memory_space<semaphore_mem>>)
      %dma_start3A_28 = arith.constant 1 : i32
      %dma_start3A_29 = arith.constant 0 : i32
      %dma_start3A_30 = tpu.memref_slice %arg8[%dma_start3A_28, %dma_start3A_29] : memref<25x80xi32, #tpu.memory_space<vmem>> -> memref<1x80xi32, #tpu.memory_space<vmem>>
      %dma_start3A_31 = tpu.memref_squeeze %dma_start3A_30 : memref<1x80xi32, #tpu.memory_space<vmem>> -> memref<80xi32, #tpu.memory_space<vmem>>
      %dma_start3A_32 = arith.constant 0 : i32
      %dma_start3A_33 = arith.constant 0 : i32
      %dma_start3A_34 = tpu.memref_slice %arg2[%dma_start3A_32, %dma_start3A_33] : memref<10000x128xf32, #tpu.memory_space<hbm>> -> memref<10000x128xf32, #tpu.memory_space<hbm>>
      tpu.enqueue_indirect_dma source(%dma_start3A_34 : memref<10000x128xf32, #tpu.memory_space<hbm>>) target(%arg11 : memref<80x128xf32, #tpu.memory_space<vmem>>) offsets(%dma_start3A_31 : memref<80xi32, #tpu.memory_space<vmem>>) semaphore(%arg16 : memref<!tpu.dma_semaphore, #tpu.memory_space<semaphore_mem>>)
      %dma_wait3A = arith.constant 0 : i32
      %dma_wait3A_35 = arith.constant 0 : i32
      %dma_wait3A_36 = tpu.memref_slice %arg8[%dma_wait3A, %dma_wait3A_35] : memref<25x80xi32, #tpu.memory_space<vmem>> -> memref<1x80xi32, #tpu.memory_space<vmem>>
      %dma_wait3A_37 = tpu.memref_squeeze %dma_wait3A_36 : memref<1x80xi32, #tpu.memory_space<vmem>> -> memref<80xi32, #tpu.memory_space<vmem>>
      %dma_wait3A_38 = arith.constant 0 : i32
      %dma_wait3A_39 = arith.constant 0 : i32
      %dma_wait3A_40 = tpu.memref_slice %arg2[%dma_wait3A_38, %dma_wait3A_39] : memref<10000x128xf32, #tpu.memory_space<hbm>> -> memref<10000x128xf32, #tpu.memory_space<hbm>>
      tpu.wait_indirect_dma semaphore(%arg15 : memref<!tpu.dma_semaphore, #tpu.memory_space<semaphore_mem>>) src(%dma_wait3A_40 : memref<10000x128xf32, #tpu.memory_space<hbm>>) dst(%arg10 : memref<80x128xf32, #tpu.memory_space<vmem>>)
      %dma_start3A_41 = arith.constant 0 : i32
      %dma_start3A_42 = arith.constant 0 : i32
      %dma_start3A_43 = tpu.memref_slice %arg9[%dma_start3A_41, %dma_start3A_42] : memref<25x80xi32, #tpu.memory_space<vmem>> -> memref<1x80xi32, #tpu.memory_space<vmem>>
      %dma_start3A_44 = tpu.memref_squeeze %dma_start3A_43 : memref<1x80xi32, #tpu.memory_space<vmem>> -> memref<80xi32, #tpu.memory_space<vmem>>
      %dma_start3A_45 = arith.constant 0 : i32
      %dma_start3A_46 = arith.constant 0 : i32
      %dma_start3A_47 = tpu.memref_slice %arg13[%dma_start3A_45, %dma_start3A_46] : memref<10240x128xf32, #tpu.memory_space<vmem_shared>> -> memref<10240x128xf32, #tpu.memory_space<vmem_shared>>
      tpu.enqueue_indirect_dma source(%arg10 : memref<80x128xf32, #tpu.memory_space<vmem>>) target(%dma_start3A_47 : memref<10240x128xf32, #tpu.memory_space<vmem_shared>>) offsets(%dma_start3A_44 : memref<80xi32, #tpu.memory_space<vmem>>) semaphore(%arg17 : memref<!tpu.dma_semaphore, #tpu.memory_space<semaphore_mem>>) {add = true}
      %run_scoped3A_48 = arith.constant 0 : i32
      "tpu.region"() ({
        %run_scoped3A_99 = tpu.sem_alloc : memref<!tpu.dma_semaphore, #tpu.memory_space<semaphore_mem>>
        %dma_start3A_100 = arith.constant 0 : i32
        %dma_start3A_101 = tpu.memref_slice %arg9[%run_scoped3A_48, %dma_start3A_100] : memref<25x80xi32, #tpu.memory_space<vmem>> -> memref<1x80xi32, #tpu.memory_space<vmem>>
        %dma_start3A_102 = tpu.memref_squeeze %dma_start3A_101 : memref<1x80xi32, #tpu.memory_space<vmem>> -> memref<80xi32, #tpu.memory_space<vmem>>
        %dma_start3A_103 = arith.constant 0 : i32
        %dma_start3A_104 = tpu.memref_slice %arg14[%dma_start3A_103] : memref<10240xf32, #tpu.memory_space<vmem_shared>> -> memref<10240xf32, #tpu.memory_space<vmem_shared>>
        tpu.enqueue_indirect_dma source(%arg12 : memref<80xf32, #tpu.memory_space<vmem>>) target(%dma_start3A_104 : memref<10240xf32, #tpu.memory_space<vmem_shared>>) offsets(%dma_start3A_102 : memref<80xi32, #tpu.memory_space<vmem>>) semaphore(%run_scoped3A_99 : memref<!tpu.dma_semaphore, #tpu.memory_space<semaphore_mem>>) {add = true}
        %dma_wait3A_105 = arith.constant 0 : i32
        %dma_wait3A_106 = tpu.memref_slice %arg9[%run_scoped3A_48, %dma_wait3A_105] : memref<25x80xi32, #tpu.memory_space<vmem>> -> memref<1x80xi32, #tpu.memory_space<vmem>>
        %dma_wait3A_107 = tpu.memref_squeeze %dma_wait3A_106 : memref<1x80xi32, #tpu.memory_space<vmem>> -> memref<80xi32, #tpu.memory_space<vmem>>
        %dma_wait3A_108 = arith.constant 0 : i32
        %dma_wait3A_109 = tpu.memref_slice %arg14[%dma_wait3A_108] : memref<10240xf32, #tpu.memory_space<vmem_shared>> -> memref<10240xf32, #tpu.memory_space<vmem_shared>>
        tpu.wait_indirect_dma semaphore(%run_scoped3A_99 : memref<!tpu.dma_semaphore, #tpu.memory_space<semaphore_mem>>) src(%arg12 : memref<80xf32, #tpu.memory_space<vmem>>) dst(%dma_wait3A_109 : memref<10240xf32, #tpu.memory_space<vmem_shared>>)
        tpu.yield
      }) : () -> ()
      %dma_wait3A_49 = arith.constant 1 : i32
      %dma_wait3A_50 = arith.constant 0 : i32
      %dma_wait3A_51 = tpu.memref_slice %arg8[%dma_wait3A_49, %dma_wait3A_50] : memref<25x80xi32, #tpu.memory_space<vmem>> -> memref<1x80xi32, #tpu.memory_space<vmem>>
      %dma_wait3A_52 = tpu.memref_squeeze %dma_wait3A_51 : memref<1x80xi32, #tpu.memory_space<vmem>> -> memref<80xi32, #tpu.memory_space<vmem>>
      %dma_wait3A_53 = arith.constant 0 : i32
      %dma_wait3A_54 = arith.constant 0 : i32
      %dma_wait3A_55 = tpu.memref_slice %arg2[%dma_wait3A_53, %dma_wait3A_54] : memref<10000x128xf32, #tpu.memory_space<hbm>> -> memref<10000x128xf32, #tpu.memory_space<hbm>>
      tpu.wait_indirect_dma semaphore(%arg16 : memref<!tpu.dma_semaphore, #tpu.memory_space<semaphore_mem>>) src(%dma_wait3A_55 : memref<10000x128xf32, #tpu.memory_space<hbm>>) dst(%arg11 : memref<80x128xf32, #tpu.memory_space<vmem>>)
      %dma_wait3A_56 = arith.constant 0 : i32
      %dma_wait3A_57 = arith.constant 0 : i32
      %dma_wait3A_58 = tpu.memref_slice %arg9[%dma_wait3A_56, %dma_wait3A_57] : memref<25x80xi32, #tpu.memory_space<vmem>> -> memref<1x80xi32, #tpu.memory_space<vmem>>
      %dma_wait3A_59 = tpu.memref_squeeze %dma_wait3A_58 : memref<1x80xi32, #tpu.memory_space<vmem>> -> memref<80xi32, #tpu.memory_space<vmem>>
      %dma_wait3A_60 = arith.constant 0 : i32
      %dma_wait3A_61 = arith.constant 0 : i32
      %dma_wait3A_62 = tpu.memref_slice %arg13[%dma_wait3A_60, %dma_wait3A_61] : memref<10240x128xf32, #tpu.memory_space<vmem_shared>> -> memref<10240x128xf32, #tpu.memory_space<vmem_shared>>
      tpu.wait_indirect_dma semaphore(%arg17 : memref<!tpu.dma_semaphore, #tpu.memory_space<semaphore_mem>>) src(%arg10 : memref<80x128xf32, #tpu.memory_space<vmem>>) dst(%dma_wait3A_62 : memref<10240x128xf32, #tpu.memory_space<vmem_shared>>)
      %dma_start3A_63 = arith.constant 2 : i32
      %dma_start3A_64 = arith.constant 0 : i32
      %dma_start3A_65 = tpu.memref_slice %arg8[%dma_start3A_63, %dma_start3A_64] : memref<25x80xi32, #tpu.memory_space<vmem>> -> memref<1x80xi32, #tpu.memory_space<vmem>>
      %dma_start3A_66 = tpu.memref_squeeze %dma_start3A_65 : memref<1x80xi32, #tpu.memory_space<vmem>> -> memref<80xi32, #tpu.memory_space<vmem>>
      %dma_start3A_67 = arith.constant 0 : i32
      %dma_start3A_68 = arith.constant 0 : i32
      %dma_start3A_69 = tpu.memref_slice %arg2[%dma_start3A_67, %dma_start3A_68] : memref<10000x128xf32, #tpu.memory_space<hbm>> -> memref<10000x128xf32, #tpu.memory_space<hbm>>
      tpu.enqueue_indirect_dma source(%dma_start3A_69 : memref<10000x128xf32, #tpu.memory_space<hbm>>) target(%arg10 : memref<80x128xf32, #tpu.memory_space<vmem>>) offsets(%dma_start3A_66 : memref<80xi32, #tpu.memory_space<vmem>>) semaphore(%arg15 : memref<!tpu.dma_semaphore, #tpu.memory_space<semaphore_mem>>)
      %dma_start3A_70 = arith.constant 1 : i32
      %dma_start3A_71 = arith.constant 0 : i32
      %dma_start3A_72 = tpu.memref_slice %arg9[%dma_start3A_70, %dma_start3A_71] : memref<25x80xi32, #tpu.memory_space<vmem>> -> memref<1x80xi32, #tpu.memory_space<vmem>>
      %dma_start3A_73 = tpu.memref_squeeze %dma_start3A_72 : memref<1x80xi32, #tpu.memory_space<vmem>> -> memref<80xi32, #tpu.memory_space<vmem>>
      %dma_start3A_74 = arith.constant 0 : i32
      %dma_start3A_75 = arith.constant 0 : i32
      %dma_start3A_76 = tpu.memref_slice %arg13[%dma_start3A_74, %dma_start3A_75] : memref<10240x128xf32, #tpu.memory_space<vmem_shared>> -> memref<10240x128xf32, #tpu.memory_space<vmem_shared>>
      tpu.enqueue_indirect_dma source(%arg11 : memref<80x128xf32, #tpu.memory_space<vmem>>) target(%dma_start3A_76 : memref<10240x128xf32, #tpu.memory_space<vmem_shared>>) offsets(%dma_start3A_73 : memref<80xi32, #tpu.memory_space<vmem>>) semaphore(%arg18 : memref<!tpu.dma_semaphore, #tpu.memory_space<semaphore_mem>>) {add = true}
      %run_scoped3A_77 = arith.constant 1 : i32
      "tpu.region"() ({
        %run_scoped3A_99 = tpu.sem_alloc : memref<!tpu.dma_semaphore, #tpu.memory_space<semaphore_mem>>
        %dma_start3A_100 = arith.constant 0 : i32
        %dma_start3A_101 = tpu.memref_slice %arg9[%run_scoped3A_77, %dma_start3A_100] : memref<25x80xi32, #tpu.memory_space<vmem>> -> memref<1x80xi32, #tpu.memory_space<vmem>>
        %dma_start3A_102 = tpu.memref_squeeze %dma_start3A_101 : memref<1x80xi32, #tpu.memory_space<vmem>> -> memref<80xi32, #tpu.memory_space<vmem>>
        %dma_start3A_103 = arith.constant 0 : i32
        %dma_start3A_104 = tpu.memref_slice %arg14[%dma_start3A_103] : memref<10240xf32, #tpu.memory_space<vmem_shared>> -> memref<10240xf32, #tpu.memory_space<vmem_shared>>
        tpu.enqueue_indirect_dma source(%arg12 : memref<80xf32, #tpu.memory_space<vmem>>) target(%dma_start3A_104 : memref<10240xf32, #tpu.memory_space<vmem_shared>>) offsets(%dma_start3A_102 : memref<80xi32, #tpu.memory_space<vmem>>) semaphore(%run_scoped3A_99 : memref<!tpu.dma_semaphore, #tpu.memory_space<semaphore_mem>>) {add = true}
        %dma_wait3A_105 = arith.constant 0 : i32
        %dma_wait3A_106 = tpu.memref_slice %arg9[%run_scoped3A_77, %dma_wait3A_105] : memref<25x80xi32, #tpu.memory_space<vmem>> -> memref<1x80xi32, #tpu.memory_space<vmem>>
        %dma_wait3A_107 = tpu.memref_squeeze %dma_wait3A_106 : memref<1x80xi32, #tpu.memory_space<vmem>> -> memref<80xi32, #tpu.memory_space<vmem>>
        %dma_wait3A_108 = arith.constant 0 : i32
        %dma_wait3A_109 = tpu.memref_slice %arg14[%dma_wait3A_108] : memref<10240xf32, #tpu.memory_space<vmem_shared>> -> memref<10240xf32, #tpu.memory_space<vmem_shared>>
        tpu.wait_indirect_dma semaphore(%run_scoped3A_99 : memref<!tpu.dma_semaphore, #tpu.memory_space<semaphore_mem>>) src(%arg12 : memref<80xf32, #tpu.memory_space<vmem>>) dst(%dma_wait3A_109 : memref<10240xf32, #tpu.memory_space<vmem_shared>>)
        tpu.yield
      }) : () -> ()
      %scan3A_78 = arith.constant 0 : i32
      %scan3A_79 = arith.constant 11 : i32
      %scan3A_80 = arith.addi %scan3A_78, %scan3A_79 : i32
      %scan3A_81 = arith.constant 1 : i32
      scf.for %scan3A_99 = %scan3A_78 to %scan3A_80 step %scan3A_81  : i32 {
        %mul3A_100 = arith.constant 1 : i32
        %mul3A_101 = arith.muli %scan3A_99, %mul3A_100 : i32
        %add3A_102 = arith.constant 1 : i32
        %add3A_103 = arith.addi %add3A_102, %mul3A_101 : i32
        %mul3A_104 = arith.constant 2 : i32
        %mul3A_105 = arith.muli %mul3A_104, %add3A_103 : i32
        %add3A_106 = arith.constant 1 : i32
        %add3A_107 = arith.addi %mul3A_105, %add3A_106 : i32
        %dma_wait3A_108 = arith.constant 0 : i32
        %dma_wait3A_109 = tpu.memref_slice %arg9[%add3A_107, %dma_wait3A_108] : memref<25x80xi32, #tpu.memory_space<vmem>> -> memref<1x80xi32, #tpu.memory_space<vmem>>
        %dma_wait3A_110 = tpu.memref_squeeze %dma_wait3A_109 : memref<1x80xi32, #tpu.memory_space<vmem>> -> memref<80xi32, #tpu.memory_space<vmem>>
        %dma_wait3A_111 = arith.constant 0 : i32
        %dma_wait3A_112 = arith.constant 0 : i32
        %dma_wait3A_113 = tpu.memref_slice %arg13[%dma_wait3A_111, %dma_wait3A_112] : memref<10240x128xf32, #tpu.memory_space<vmem_shared>> -> memref<10240x128xf32, #tpu.memory_space<vmem_shared>>
        tpu.wait_indirect_dma semaphore(%arg18 : memref<!tpu.dma_semaphore, #tpu.memory_space<semaphore_mem>>) src(%arg11 : memref<80x128xf32, #tpu.memory_space<vmem>>) dst(%dma_wait3A_113 : memref<10240x128xf32, #tpu.memory_space<vmem_shared>>)
        %dma_start3A_114 = arith.constant 0 : i32
        %dma_start3A_115 = tpu.memref_slice %arg8[%add3A_107, %dma_start3A_114] : memref<25x80xi32, #tpu.memory_space<vmem>> -> memref<1x80xi32, #tpu.memory_space<vmem>>
        %dma_start3A_116 = tpu.memref_squeeze %dma_start3A_115 : memref<1x80xi32, #tpu.memory_space<vmem>> -> memref<80xi32, #tpu.memory_space<vmem>>
        %dma_start3A_117 = arith.constant 0 : i32
        %dma_start3A_118 = arith.constant 0 : i32
        %dma_start3A_119 = tpu.memref_slice %arg2[%dma_start3A_117, %dma_start3A_118] : memref<10000x128xf32, #tpu.memory_space<hbm>> -> memref<10000x128xf32, #tpu.memory_space<hbm>>
        tpu.enqueue_indirect_dma source(%dma_start3A_119 : memref<10000x128xf32, #tpu.memory_space<hbm>>) target(%arg11 : memref<80x128xf32, #tpu.memory_space<vmem>>) offsets(%dma_start3A_116 : memref<80xi32, #tpu.memory_space<vmem>>) semaphore(%arg16 : memref<!tpu.dma_semaphore, #tpu.memory_space<semaphore_mem>>)
        %dma_wait3A_120 = arith.constant 0 : i32
        %dma_wait3A_121 = tpu.memref_slice %arg8[%mul3A_105, %dma_wait3A_120] : memref<25x80xi32, #tpu.memory_space<vmem>> -> memref<1x80xi32, #tpu.memory_space<vmem>>
        %dma_wait3A_122 = tpu.memref_squeeze %dma_wait3A_121 : memref<1x80xi32, #tpu.memory_space<vmem>> -> memref<80xi32, #tpu.memory_space<vmem>>
        %dma_wait3A_123 = arith.constant 0 : i32
        %dma_wait3A_124 = arith.constant 0 : i32
        %dma_wait3A_125 = tpu.memref_slice %arg2[%dma_wait3A_123, %dma_wait3A_124] : memref<10000x128xf32, #tpu.memory_space<hbm>> -> memref<10000x128xf32, #tpu.memory_space<hbm>>
        tpu.wait_indirect_dma semaphore(%arg15 : memref<!tpu.dma_semaphore, #tpu.memory_space<semaphore_mem>>) src(%dma_wait3A_125 : memref<10000x128xf32, #tpu.memory_space<hbm>>) dst(%arg10 : memref<80x128xf32, #tpu.memory_space<vmem>>)
        %dma_start3A_126 = arith.constant 0 : i32
        %dma_start3A_127 = tpu.memref_slice %arg9[%mul3A_105, %dma_start3A_126] : memref<25x80xi32, #tpu.memory_space<vmem>> -> memref<1x80xi32, #tpu.memory_space<vmem>>
        %dma_start3A_128 = tpu.memref_squeeze %dma_start3A_127 : memref<1x80xi32, #tpu.memory_space<vmem>> -> memref<80xi32, #tpu.memory_space<vmem>>
        %dma_start3A_129 = arith.constant 0 : i32
        %dma_start3A_130 = arith.constant 0 : i32
        %dma_start3A_131 = tpu.memref_slice %arg13[%dma_start3A_129, %dma_start3A_130] : memref<10240x128xf32, #tpu.memory_space<vmem_shared>> -> memref<10240x128xf32, #tpu.memory_space<vmem_shared>>
        tpu.enqueue_indirect_dma source(%arg10 : memref<80x128xf32, #tpu.memory_space<vmem>>) target(%dma_start3A_131 : memref<10240x128xf32, #tpu.memory_space<vmem_shared>>) offsets(%dma_start3A_128 : memref<80xi32, #tpu.memory_space<vmem>>) semaphore(%arg17 : memref<!tpu.dma_semaphore, #tpu.memory_space<semaphore_mem>>) {add = true}
        "tpu.region"() ({
          %run_scoped3A_158 = tpu.sem_alloc : memref<!tpu.dma_semaphore, #tpu.memory_space<semaphore_mem>>
          %dma_start3A_159 = arith.constant 0 : i32
          %dma_start3A_160 = tpu.memref_slice %arg9[%mul3A_105, %dma_start3A_159] : memref<25x80xi32, #tpu.memory_space<vmem>> -> memref<1x80xi32, #tpu.memory_space<vmem>>
          %dma_start3A_161 = tpu.memref_squeeze %dma_start3A_160 : memref<1x80xi32, #tpu.memory_space<vmem>> -> memref<80xi32, #tpu.memory_space<vmem>>
          %dma_start3A_162 = arith.constant 0 : i32
          %dma_start3A_163 = tpu.memref_slice %arg14[%dma_start3A_162] : memref<10240xf32, #tpu.memory_space<vmem_shared>> -> memref<10240xf32, #tpu.memory_space<vmem_shared>>
          tpu.enqueue_indirect_dma source(%arg12 : memref<80xf32, #tpu.memory_space<vmem>>) target(%dma_start3A_163 : memref<10240xf32, #tpu.memory_space<vmem_shared>>) offsets(%dma_start3A_161 : memref<80xi32, #tpu.memory_space<vmem>>) semaphore(%run_scoped3A_158 : memref<!tpu.dma_semaphore, #tpu.memory_space<semaphore_mem>>) {add = true}
          %dma_wait3A_164 = arith.constant 0 : i32
          %dma_wait3A_165 = tpu.memref_slice %arg9[%mul3A_105, %dma_wait3A_164] : memref<25x80xi32, #tpu.memory_space<vmem>> -> memref<1x80xi32, #tpu.memory_space<vmem>>
          %dma_wait3A_166 = tpu.memref_squeeze %dma_wait3A_165 : memref<1x80xi32, #tpu.memory_space<vmem>> -> memref<80xi32, #tpu.memory_space<vmem>>
          %dma_wait3A_167 = arith.constant 0 : i32
          %dma_wait3A_168 = tpu.memref_slice %arg14[%dma_wait3A_167] : memref<10240xf32, #tpu.memory_space<vmem_shared>> -> memref<10240xf32, #tpu.memory_space<vmem_shared>>
          tpu.wait_indirect_dma semaphore(%run_scoped3A_158 : memref<!tpu.dma_semaphore, #tpu.memory_space<semaphore_mem>>) src(%arg12 : memref<80xf32, #tpu.memory_space<vmem>>) dst(%dma_wait3A_168 : memref<10240xf32, #tpu.memory_space<vmem_shared>>)
          tpu.yield
        }) : () -> ()
        %dma_wait3A_132 = arith.constant 0 : i32
        %dma_wait3A_133 = tpu.memref_slice %arg8[%add3A_107, %dma_wait3A_132] : memref<25x80xi32, #tpu.memory_space<vmem>> -> memref<1x80xi32, #tpu.memory_space<vmem>>
        %dma_wait3A_134 = tpu.memref_squeeze %dma_wait3A_133 : memref<1x80xi32, #tpu.memory_space<vmem>> -> memref<80xi32, #tpu.memory_space<vmem>>
        %dma_wait3A_135 = arith.constant 0 : i32
        %dma_wait3A_136 = arith.constant 0 : i32
        %dma_wait3A_137 = tpu.memref_slice %arg2[%dma_wait3A_135, %dma_wait3A_136] : memref<10000x128xf32, #tpu.memory_space<hbm>> -> memref<10000x128xf32, #tpu.memory_space<hbm>>
        tpu.wait_indirect_dma semaphore(%arg16 : memref<!tpu.dma_semaphore, #tpu.memory_space<semaphore_mem>>) src(%dma_wait3A_137 : memref<10000x128xf32, #tpu.memory_space<hbm>>) dst(%arg11 : memref<80x128xf32, #tpu.memory_space<vmem>>)
        %dma_wait3A_138 = arith.constant 0 : i32
        %dma_wait3A_139 = tpu.memref_slice %arg9[%mul3A_105, %dma_wait3A_138] : memref<25x80xi32, #tpu.memory_space<vmem>> -> memref<1x80xi32, #tpu.memory_space<vmem>>
        %dma_wait3A_140 = tpu.memref_squeeze %dma_wait3A_139 : memref<1x80xi32, #tpu.memory_space<vmem>> -> memref<80xi32, #tpu.memory_space<vmem>>
        %dma_wait3A_141 = arith.constant 0 : i32
        %dma_wait3A_142 = arith.constant 0 : i32
        %dma_wait3A_143 = tpu.memref_slice %arg13[%dma_wait3A_141, %dma_wait3A_142] : memref<10240x128xf32, #tpu.memory_space<vmem_shared>> -> memref<10240x128xf32, #tpu.memory_space<vmem_shared>>
        tpu.wait_indirect_dma semaphore(%arg17 : memref<!tpu.dma_semaphore, #tpu.memory_space<semaphore_mem>>) src(%arg10 : memref<80x128xf32, #tpu.memory_space<vmem>>) dst(%dma_wait3A_143 : memref<10240x128xf32, #tpu.memory_space<vmem_shared>>)
        %add3A_144 = arith.constant 2 : i32
        %add3A_145 = arith.addi %mul3A_105, %add3A_144 : i32
        %dma_start3A_146 = arith.constant 0 : i32
        %dma_start3A_147 = tpu.memref_slice %arg8[%add3A_145, %dma_start3A_146] : memref<25x80xi32, #tpu.memory_space<vmem>> -> memref<1x80xi32, #tpu.memory_space<vmem>>
        %dma_start3A_148 = tpu.memref_squeeze %dma_start3A_147 : memref<1x80xi32, #tpu.memory_space<vmem>> -> memref<80xi32, #tpu.memory_space<vmem>>
        %dma_start3A_149 = arith.constant 0 : i32
        %dma_start3A_150 = arith.constant 0 : i32
        %dma_start3A_151 = tpu.memref_slice %arg2[%dma_start3A_149, %dma_start3A_150] : memref<10000x128xf32, #tpu.memory_space<hbm>> -> memref<10000x128xf32, #tpu.memory_space<hbm>>
        tpu.enqueue_indirect_dma source(%dma_start3A_151 : memref<10000x128xf32, #tpu.memory_space<hbm>>) target(%arg10 : memref<80x128xf32, #tpu.memory_space<vmem>>) offsets(%dma_start3A_148 : memref<80xi32, #tpu.memory_space<vmem>>) semaphore(%arg15 : memref<!tpu.dma_semaphore, #tpu.memory_space<semaphore_mem>>)
        %dma_start3A_152 = arith.constant 0 : i32
        %dma_start3A_153 = tpu.memref_slice %arg9[%add3A_107, %dma_start3A_152] : memref<25x80xi32, #tpu.memory_space<vmem>> -> memref<1x80xi32, #tpu.memory_space<vmem>>
        %dma_start3A_154 = tpu.memref_squeeze %dma_start3A_153 : memref<1x80xi32, #tpu.memory_space<vmem>> -> memref<80xi32, #tpu.memory_space<vmem>>
        %dma_start3A_155 = arith.constant 0 : i32
        %dma_start3A_156 = arith.constant 0 : i32
        %dma_start3A_157 = tpu.memref_slice %arg13[%dma_start3A_155, %dma_start3A_156] : memref<10240x128xf32, #tpu.memory_space<vmem_shared>> -> memref<10240x128xf32, #tpu.memory_space<vmem_shared>>
        tpu.enqueue_indirect_dma source(%arg11 : memref<80x128xf32, #tpu.memory_space<vmem>>) target(%dma_start3A_157 : memref<10240x128xf32, #tpu.memory_space<vmem_shared>>) offsets(%dma_start3A_154 : memref<80xi32, #tpu.memory_space<vmem>>) semaphore(%arg18 : memref<!tpu.dma_semaphore, #tpu.memory_space<semaphore_mem>>) {add = true}
        "tpu.region"() ({
          %run_scoped3A_158 = tpu.sem_alloc : memref<!tpu.dma_semaphore, #tpu.memory_space<semaphore_mem>>
          %dma_start3A_159 = arith.constant 0 : i32
          %dma_start3A_160 = tpu.memref_slice %arg9[%add3A_107, %dma_start3A_159] : memref<25x80xi32, #tpu.memory_space<vmem>> -> memref<1x80xi32, #tpu.memory_space<vmem>>
          %dma_start3A_161 = tpu.memref_squeeze %dma_start3A_160 : memref<1x80xi32, #tpu.memory_space<vmem>> -> memref<80xi32, #tpu.memory_space<vmem>>
          %dma_start3A_162 = arith.constant 0 : i32
          %dma_start3A_163 = tpu.memref_slice %arg14[%dma_start3A_162] : memref<10240xf32, #tpu.memory_space<vmem_shared>> -> memref<10240xf32, #tpu.memory_space<vmem_shared>>
          tpu.enqueue_indirect_dma source(%arg12 : memref<80xf32, #tpu.memory_space<vmem>>) target(%dma_start3A_163 : memref<10240xf32, #tpu.memory_space<vmem_shared>>) offsets(%dma_start3A_161 : memref<80xi32, #tpu.memory_space<vmem>>) semaphore(%run_scoped3A_158 : memref<!tpu.dma_semaphore, #tpu.memory_space<semaphore_mem>>) {add = true}
          %dma_wait3A_164 = arith.constant 0 : i32
          %dma_wait3A_165 = tpu.memref_slice %arg9[%add3A_107, %dma_wait3A_164] : memref<25x80xi32, #tpu.memory_space<vmem>> -> memref<1x80xi32, #tpu.memory_space<vmem>>
          %dma_wait3A_166 = tpu.memref_squeeze %dma_wait3A_165 : memref<1x80xi32, #tpu.memory_space<vmem>> -> memref<80xi32, #tpu.memory_space<vmem>>
          %dma_wait3A_167 = arith.constant 0 : i32
          %dma_wait3A_168 = tpu.memref_slice %arg14[%dma_wait3A_167] : memref<10240xf32, #tpu.memory_space<vmem_shared>> -> memref<10240xf32, #tpu.memory_space<vmem_shared>>
          tpu.wait_indirect_dma semaphore(%run_scoped3A_158 : memref<!tpu.dma_semaphore, #tpu.memory_space<semaphore_mem>>) src(%arg12 : memref<80xf32, #tpu.memory_space<vmem>>) dst(%dma_wait3A_168 : memref<10240xf32, #tpu.memory_space<vmem_shared>>)
          tpu.yield
        }) : () -> ()
      }
      %scan3A_82 = arith.constant 11 : i32
      %dma_wait3A_83 = arith.constant 23 : i32
      %dma_wait3A_84 = arith.constant 0 : i32
      %dma_wait3A_85 = tpu.memref_slice %arg9[%dma_wait3A_83, %dma_wait3A_84] : memref<25x80xi32, #tpu.memory_space<vmem>> -> memref<1x80xi32, #tpu.memory_space<vmem>>
      %dma_wait3A_86 = tpu.memref_squeeze %dma_wait3A_85 : memref<1x80xi32, #tpu.memory_space<vmem>> -> memref<80xi32, #tpu.memory_space<vmem>>
      %dma_wait3A_87 = arith.constant 0 : i32
      %dma_wait3A_88 = arith.constant 0 : i32
      %dma_wait3A_89 = tpu.memref_slice %arg13[%dma_wait3A_87, %dma_wait3A_88] : memref<10240x128xf32, #tpu.memory_space<vmem_shared>> -> memref<10240x128xf32, #tpu.memory_space<vmem_shared>>
      tpu.wait_indirect_dma semaphore(%arg18 : memref<!tpu.dma_semaphore, #tpu.memory_space<semaphore_mem>>) src(%arg11 : memref<80x128xf32, #tpu.memory_space<vmem>>) dst(%dma_wait3A_89 : memref<10240x128xf32, #tpu.memory_space<vmem_shared>>)
      %dma_wait3A_90 = arith.constant 24 : i32
      %dma_wait3A_91 = arith.constant 0 : i32
      %dma_wait3A_92 = tpu.memref_slice %arg8[%dma_wait3A_90, %dma_wait3A_91] : memref<25x80xi32, #tpu.memory_space<vmem>> -> memref<1x80xi32, #tpu.memory_space<vmem>>
      %dma_wait3A_93 = tpu.memref_squeeze %dma_wait3A_92 : memref<1x80xi32, #tpu.memory_space<vmem>> -> memref<80xi32, #tpu.memory_space<vmem>>
      %dma_wait3A_94 = arith.constant 0 : i32
      %dma_wait3A_95 = arith.constant 0 : i32
      %dma_wait3A_96 = tpu.memref_slice %arg2[%dma_wait3A_94, %dma_wait3A_95] : memref<10000x128xf32, #tpu.memory_space<hbm>> -> memref<10000x128xf32, #tpu.memory_space<hbm>>
      tpu.wait_indirect_dma semaphore(%arg15 : memref<!tpu.dma_semaphore, #tpu.memory_space<semaphore_mem>>) src(%dma_wait3A_96 : memref<10000x128xf32, #tpu.memory_space<hbm>>) dst(%arg10 : memref<80x128xf32, #tpu.memory_space<vmem>>)
      %run_scoped3A_97 = arith.constant 24 : i32
      "tpu.region"() ({
        %run_scoped3A_99 = tpu.sem_alloc : memref<!tpu.dma_semaphore, #tpu.memory_space<semaphore_mem>>
        %dma_start3A_100 = arith.constant 0 : i32
        %dma_start3A_101 = tpu.memref_slice %arg9[%run_scoped3A_97, %dma_start3A_100] : memref<25x80xi32, #tpu.memory_space<vmem>> -> memref<1x80xi32, #tpu.memory_space<vmem>>
        %dma_start3A_102 = tpu.memref_squeeze %dma_start3A_101 : memref<1x80xi32, #tpu.memory_space<vmem>> -> memref<80xi32, #tpu.memory_space<vmem>>
        %dma_start3A_103 = arith.constant 0 : i32
        %dma_start3A_104 = arith.constant 0 : i32
        %dma_start3A_105 = tpu.memref_slice %arg13[%dma_start3A_103, %dma_start3A_104] : memref<10240x128xf32, #tpu.memory_space<vmem_shared>> -> memref<10240x128xf32, #tpu.memory_space<vmem_shared>>
        tpu.enqueue_indirect_dma source(%arg10 : memref<80x128xf32, #tpu.memory_space<vmem>>) target(%dma_start3A_105 : memref<10240x128xf32, #tpu.memory_space<vmem_shared>>) offsets(%dma_start3A_102 : memref<80xi32, #tpu.memory_space<vmem>>) semaphore(%run_scoped3A_99 : memref<!tpu.dma_semaphore, #tpu.memory_space<semaphore_mem>>) {add = true}
        %dma_wait3A_106 = arith.constant 0 : i32
        %dma_wait3A_107 = tpu.memref_slice %arg9[%run_scoped3A_97, %dma_wait3A_106] : memref<25x80xi32, #tpu.memory_space<vmem>> -> memref<1x80xi32, #tpu.memory_space<vmem>>
        %dma_wait3A_108 = tpu.memref_squeeze %dma_wait3A_107 : memref<1x80xi32, #tpu.memory_space<vmem>> -> memref<80xi32, #tpu.memory_space<vmem>>
        %dma_wait3A_109 = arith.constant 0 : i32
        %dma_wait3A_110 = arith.constant 0 : i32
        %dma_wait3A_111 = tpu.memref_slice %arg13[%dma_wait3A_109, %dma_wait3A_110] : memref<10240x128xf32, #tpu.memory_space<vmem_shared>> -> memref<10240x128xf32, #tpu.memory_space<vmem_shared>>
        tpu.wait_indirect_dma semaphore(%run_scoped3A_99 : memref<!tpu.dma_semaphore, #tpu.memory_space<semaphore_mem>>) src(%arg10 : memref<80x128xf32, #tpu.memory_space<vmem>>) dst(%dma_wait3A_111 : memref<10240x128xf32, #tpu.memory_space<vmem_shared>>)
        tpu.yield
      }) : () -> ()
      %run_scoped3A_98 = arith.constant 24 : i32
      "tpu.region"() ({
        %run_scoped3A_99 = tpu.sem_alloc : memref<!tpu.dma_semaphore, #tpu.memory_space<semaphore_mem>>
        %dma_start3A_100 = arith.constant 0 : i32
        %dma_start3A_101 = tpu.memref_slice %arg9[%run_scoped3A_98, %dma_start3A_100] : memref<25x80xi32, #tpu.memory_space<vmem>> -> memref<1x80xi32, #tpu.memory_space<vmem>>
        %dma_start3A_102 = tpu.memref_squeeze %dma_start3A_101 : memref<1x80xi32, #tpu.memory_space<vmem>> -> memref<80xi32, #tpu.memory_space<vmem>>
        %dma_start3A_103 = arith.constant 0 : i32
        %dma_start3A_104 = tpu.memref_slice %arg14[%dma_start3A_103] : memref<10240xf32, #tpu.memory_space<vmem_shared>> -> memref<10240xf32, #tpu.memory_space<vmem_shared>>
        tpu.enqueue_indirect_dma source(%arg12 : memref<80xf32, #tpu.memory_space<vmem>>) target(%dma_start3A_104 : memref<10240xf32, #tpu.memory_space<vmem_shared>>) offsets(%dma_start3A_102 : memref<80xi32, #tpu.memory_space<vmem>>) semaphore(%run_scoped3A_99 : memref<!tpu.dma_semaphore, #tpu.memory_space<semaphore_mem>>) {add = true}
        %dma_wait3A_105 = arith.constant 0 : i32
        %dma_wait3A_106 = tpu.memref_slice %arg9[%run_scoped3A_98, %dma_wait3A_105] : memref<25x80xi32, #tpu.memory_space<vmem>> -> memref<1x80xi32, #tpu.memory_space<vmem>>
        %dma_wait3A_107 = tpu.memref_squeeze %dma_wait3A_106 : memref<1x80xi32, #tpu.memory_space<vmem>> -> memref<80xi32, #tpu.memory_space<vmem>>
        %dma_wait3A_108 = arith.constant 0 : i32
        %dma_wait3A_109 = tpu.memref_slice %arg14[%dma_wait3A_108] : memref<10240xf32, #tpu.memory_space<vmem_shared>> -> memref<10240xf32, #tpu.memory_space<vmem_shared>>
        tpu.wait_indirect_dma semaphore(%run_scoped3A_99 : memref<!tpu.dma_semaphore, #tpu.memory_space<semaphore_mem>>) src(%arg12 : memref<80xf32, #tpu.memory_space<vmem>>) dst(%dma_wait3A_109 : memref<10240xf32, #tpu.memory_space<vmem_shared>>)
        tpu.yield
      }) : () -> ()
    }
    %scan3A_11 = arith.constant 5 : i32
    %barrier3A_12 = arith.constant 0 : index
    tpu.barrier barrier_id(%barrier3A_12)
    "tpu.region"() ({
      %run_scoped3A = tpu.sem_alloc : memref<!tpu.dma_semaphore, #tpu.memory_space<semaphore_mem>>
      %dma_start3A = arith.constant 0 : i32
      %dma_start3A_16 = tpu.memref_slice %arg6[%arg0, %mul3A_2, %dma_start3A] : memref<2x10240x128xf32, #tpu.memory_space<hbm>> -> memref<1x640x128xf32, #tpu.memory_space<hbm>>
      %dma_start3A_17 = tpu.memref_squeeze %dma_start3A_16 : memref<1x640x128xf32, #tpu.memory_space<hbm>> -> memref<640x128xf32, #tpu.memory_space<hbm>>
      %dma_start3A_18 = arith.constant 0 : i32
      %dma_start3A_19 = tpu.memref_slice %arg13[%mul3A_2, %dma_start3A_18] : memref<10240x128xf32, #tpu.memory_space<vmem_shared>> -> memref<640x128xf32, #tpu.memory_space<vmem_shared>>
      tpu.enqueue_dma source(%dma_start3A_19 : memref<640x128xf32, #tpu.memory_space<vmem_shared>>) target(%dma_start3A_17 : memref<640x128xf32, #tpu.memory_space<hbm>>) target_semaphore(%run_scoped3A : memref<!tpu.dma_semaphore, #tpu.memory_space<semaphore_mem>>)
      %dma_wait3A = arith.constant 0 : i32
      %dma_wait3A_20 = tpu.memref_slice %arg6[%arg0, %mul3A_2, %dma_wait3A] : memref<2x10240x128xf32, #tpu.memory_space<hbm>> -> memref<1x640x128xf32, #tpu.memory_space<hbm>>
      %dma_wait3A_21 = tpu.memref_squeeze %dma_wait3A_20 : memref<1x640x128xf32, #tpu.memory_space<hbm>> -> memref<640x128xf32, #tpu.memory_space<hbm>>
      %dma_wait3A_22 = arith.constant 0 : i32
      %dma_wait3A_23 = tpu.memref_slice %arg13[%mul3A_2, %dma_wait3A_22] : memref<10240x128xf32, #tpu.memory_space<vmem_shared>> -> memref<640x128xf32, #tpu.memory_space<vmem_shared>>
      tpu.wait_dma2 semaphore(%run_scoped3A : memref<!tpu.dma_semaphore, #tpu.memory_space<semaphore_mem>>) src(%dma_wait3A_23 : memref<640x128xf32, #tpu.memory_space<vmem_shared>>) dst(%dma_wait3A_21 : memref<640x128xf32, #tpu.memory_space<hbm>>)
      tpu.yield
    }) : () -> ()
    %mul3A_13 = arith.constant 10240 : i32
    %mul3A_14 = arith.muli %arg0, %mul3A_13 : i32
    %add3A_15 = arith.addi %mul3A_14, %mul3A_2 : i32
    "tpu.region"() ({
      %run_scoped3A = tpu.sem_alloc : memref<!tpu.dma_semaphore, #tpu.memory_space<semaphore_mem>>
      %dma_start3A = tpu.memref_slice %arg7[%add3A_15] : memref<20480xf32, #tpu.memory_space<hbm>> -> memref<640xf32, #tpu.memory_space<hbm>>
      %dma_start3A_16 = tpu.memref_slice %arg14[%mul3A_2] : memref<10240xf32, #tpu.memory_space<vmem_shared>> -> memref<640xf32, #tpu.memory_space<vmem_shared>>
      tpu.enqueue_dma source(%dma_start3A_16 : memref<640xf32, #tpu.memory_space<vmem_shared>>) target(%dma_start3A : memref<640xf32, #tpu.memory_space<hbm>>) target_semaphore(%run_scoped3A : memref<!tpu.dma_semaphore, #tpu.memory_space<semaphore_mem>>)
      %dma_wait3A = tpu.memref_slice %arg7[%add3A_15] : memref<20480xf32, #tpu.memory_space<hbm>> -> memref<640xf32, #tpu.memory_space<hbm>>
      %dma_wait3A_17 = tpu.memref_slice %arg14[%mul3A_2] : memref<10240xf32, #tpu.memory_space<vmem_shared>> -> memref<640xf32, #tpu.memory_space<vmem_shared>>
      tpu.wait_dma2 semaphore(%run_scoped3A : memref<!tpu.dma_semaphore, #tpu.memory_space<semaphore_mem>>) src(%dma_wait3A_17 : memref<640xf32, #tpu.memory_space<vmem_shared>>) dst(%dma_wait3A : memref<640xf32, #tpu.memory_space<hbm>>)
      tpu.yield
    }) : () -> ()
    return
  }
}

module attributes {stable_mosaic.version = 14 : i64} {
  func.func @_layer_body(%arg0: i32, %arg1: memref<2000x128xf32, #tpu.memory_space<vmem>>, %arg2: memref<128x128xf32, #tpu.memory_space<vmem>>, %arg3: memref<128x128xf32, #tpu.memory_space<vmem>>, %arg4: memref<1x128xf32, #tpu.memory_space<vmem>>, %arg5: memref<2x2000x128xf32, #tpu.memory_space<vmem>>, %arg6: memref<2000x2xf32, #tpu.memory_space<vmem>>, %arg7: memref<2000x128xf32, #tpu.memory_space<vmem>>) attributes {dimension_semantics = [#tpu.dimension_semantics<arbitrary>], iteration_bounds = array<i64: 5>, scalar_prefetch = 0 : i64, scratch_operands = 0 : i64, tpu.core_type = #tpu.core_type<tc>, window_params = [{transform_indices = @transform_0, window_bounds = array<i64: 2000, 128>}, {pipeline_mode = #tpu.pipeline_mode<synchronous>, transform_indices = @transform_1, window_bounds = array<i64: 128, 128>}, {pipeline_mode = #tpu.pipeline_mode<synchronous>, transform_indices = @transform_2, window_bounds = array<i64: 128, 128>}, {pipeline_mode = #tpu.pipeline_mode<synchronous>, transform_indices = @transform_3, window_bounds = array<i64: 1, 128>}, {transform_indices = @transform_4, window_bounds = array<i64: 2, 2000, 128>}, {transform_indices = @transform_5, window_bounds = array<i64: 2000, 2>}, {transform_indices = @transform_6, window_bounds = array<i64: 2000, 128>}]} {
    %get3A = arith.constant 0 : index
    %get3A_0 = arith.constant 0 : index
    %get3A_1 = arith.constant 0 : index
    %get3A_2 = vector.load %arg5[%get3A, %get3A_0, %get3A_1] : memref<2x2000x128xf32, #tpu.memory_space<vmem>>, vector<1x2000x128xf32>
    %get3A_3 = vector.shape_cast %get3A_2 : vector<1x2000x128xf32> to vector<2000x128xf32>
    %get3A_4 = arith.constant 1 : index
    %get3A_5 = arith.constant 0 : index
    %get3A_6 = arith.constant 0 : index
    %get3A_7 = vector.load %arg5[%get3A_4, %get3A_5, %get3A_6] : memref<2x2000x128xf32, #tpu.memory_space<vmem>>, vector<1x2000x128xf32>
    %get3A_8 = vector.shape_cast %get3A_7 : vector<1x2000x128xf32> to vector<2000x128xf32>
    %add3A = arith.addf %get3A_3, %get3A_8 : vector<2000x128xf32>
    %get3A_9 = arith.constant 0 : index
    %get3A_10 = arith.constant 0 : index
    %get3A_11 = vector.load %arg6[%get3A_9, %get3A_10] : memref<2000x2xf32, #tpu.memory_space<vmem>>, vector<2000x1xf32>
    %get3A_12 = arith.constant 0 : index
    %get3A_13 = arith.constant 1 : index
    %get3A_14 = vector.load %arg6[%get3A_12, %get3A_13] : memref<2000x2xf32, #tpu.memory_space<vmem>>, vector<2000x1xf32>
    %add3A_15 = arith.addf %get3A_11, %get3A_14 : vector<2000x1xf32>
    %max3A = arith.constant 1.000000e+00 : f32
    %max3A_16 = vector.broadcast %max3A : f32 to vector<2000x1xf32>
    %max3A_17 = arith.maximumf %add3A_15, %max3A_16 : vector<2000x1xf32>
    %div3A = arith.constant 1.000000e+00 : f32
    %div3A_18 = vector.broadcast %div3A : f32 to vector<2000x1xf32>
    %div3A_19 = arith.divf %div3A_18, %max3A_17 : vector<2000x1xf32>
    %mul3A = vector.broadcast %div3A_19 : vector<2000x1xf32> to vector<2000x128xf32>
    %mul3A_20 = arith.mulf %add3A, %mul3A : vector<2000x128xf32>
    %get3A_21 = arith.constant 0 : index
    %get3A_22 = arith.constant 0 : index
    %get3A_23 = vector.load %arg1[%get3A_21, %get3A_22] : memref<2000x128xf32, #tpu.memory_space<vmem>>, vector<2000x128xf32>
    %get3A_24 = arith.constant 0 : index
    %get3A_25 = arith.constant 0 : index
    %get3A_26 = vector.load %arg2[%get3A_24, %get3A_25] : memref<128x128xf32, #tpu.memory_space<vmem>>, vector<128x128xf32>
    %dot_general3A = arith.constant dense<0.000000e+00> : vector<2000x128xf32>
    %dot_general3A_27 = tpu.matmul %get3A_23, %get3A_26, %dot_general3A {dimension_numbers = #tpu.dot_dimension_numbers<[1], [0], [0], [1], [0, 0, 1, 1], [], []>, transpose_lhs_hint = false} : vector<2000x128xf32>, vector<128x128xf32>, vector<2000x128xf32> -> vector<2000x128xf32>
    %get3A_28 = arith.constant 0 : index
    %get3A_29 = arith.constant 0 : index
    %get3A_30 = vector.load %arg3[%get3A_28, %get3A_29] : memref<128x128xf32, #tpu.memory_space<vmem>>, vector<128x128xf32>
    %dot_general3A_31 = arith.constant dense<0.000000e+00> : vector<2000x128xf32>
    %dot_general3A_32 = tpu.matmul %mul3A_20, %get3A_30, %dot_general3A_31 {dimension_numbers = #tpu.dot_dimension_numbers<[1], [0], [0], [1], [0, 0, 1, 1], [], []>, transpose_lhs_hint = false} : vector<2000x128xf32>, vector<128x128xf32>, vector<2000x128xf32> -> vector<2000x128xf32>
    %add3A_33 = arith.addf %dot_general3A_27, %dot_general3A_32 : vector<2000x128xf32>
    %get3A_34 = arith.constant 0 : index
    %get3A_35 = arith.constant 0 : index
    %get3A_36 = vector.load %arg4[%get3A_34, %get3A_35] : memref<1x128xf32, #tpu.memory_space<vmem>>, vector<1x128xf32>
    %add3A_37 = vector.broadcast %get3A_36 : vector<1x128xf32> to vector<2000x128xf32>
    %add3A_38 = arith.addf %add3A_33, %add3A_37 : vector<2000x128xf32>
    %max3A_39 = arith.constant 0.000000e+00 : f32
    %max3A_40 = vector.broadcast %max3A_39 : f32 to vector<2000x128xf32>
    %max3A_41 = arith.maximumf %add3A_38, %max3A_40 : vector<2000x128xf32>
    %swap3A = arith.constant 0 : index
    %swap3A_42 = arith.constant 0 : index
    %swap3A_43 = vector.load %arg7[%swap3A, %swap3A_42] : memref<2000x128xf32, #tpu.memory_space<vmem>>, vector<2000x128xf32>
    tpu.vector_store %arg7[%swap3A, %swap3A_42], %max3A_41 {strides = array<i32>} : memref<2000x128xf32, #tpu.memory_space<vmem>>, vector<2000x128xf32>,
    return
  }
  func.func @transform_0(%arg0: i32) -> (i32, i32) {
    %c0_i32 = arith.constant 0 : i32
    %c0_i32_0 = arith.constant 0 : i32
    return %arg0, %c0_i32 : i32, i32
  }
  func.func @transform_1(%arg0: i32) -> (i32, i32) {
    %c0_i32 = arith.constant 0 : i32
    %c0_i32_0 = arith.constant 0 : i32
    %c0_i32_1 = arith.constant 0 : i32
    return %c0_i32, %c0_i32_0 : i32, i32
  }
  func.func @transform_2(%arg0: i32) -> (i32, i32) {
    %c0_i32 = arith.constant 0 : i32
    %c0_i32_0 = arith.constant 0 : i32
    %c0_i32_1 = arith.constant 0 : i32
    return %c0_i32, %c0_i32_0 : i32, i32
  }
  func.func @transform_3(%arg0: i32) -> (i32, i32) {
    %c0_i32 = arith.constant 0 : i32
    %c0_i32_0 = arith.constant 0 : i32
    %c0_i32_1 = arith.constant 0 : i32
    return %c0_i32, %c0_i32_0 : i32, i32
  }
  func.func @transform_4(%arg0: i32) -> (i32, i32, i32) {
    %c0_i32 = arith.constant 0 : i32
    %c0_i32_0 = arith.constant 0 : i32
    %c0_i32_1 = arith.constant 0 : i32
    return %c0_i32, %arg0, %c0_i32_0 : i32, i32, i32
  }
  func.func @transform_5(%arg0: i32) -> (i32, i32) {
    %c0_i32 = arith.constant 0 : i32
    %c0_i32_0 = arith.constant 0 : i32
    return %arg0, %c0_i32 : i32, i32
  }
  func.func @transform_6(%arg0: i32) -> (i32, i32) {
    %c0_i32 = arith.constant 0 : i32
    %c0_i32_0 = arith.constant 0 : i32
    return %arg0, %c0_i32 : i32, i32
  }
}

module attributes {stable_mosaic.version = 14 : i64} {
  func.func @_final_body(%arg0: i32, %arg1: memref<2000x128xf32, #tpu.memory_space<vmem>>, %arg2: memref<128x128xf32, #tpu.memory_space<vmem>>, %arg3: memref<128x128xf32, #tpu.memory_space<vmem>>, %arg4: memref<1x128xf32, #tpu.memory_space<vmem>>, %arg5: memref<2x2000x128xf32, #tpu.memory_space<vmem>>, %arg6: memref<2000x2xf32, #tpu.memory_space<vmem>>, %arg7: memref<128x64xf32, #tpu.memory_space<vmem>>, %arg8: memref<1x64xf32, #tpu.memory_space<vmem>>, %arg9: memref<2000x64xf32, #tpu.memory_space<vmem>>) attributes {dimension_semantics = [#tpu.dimension_semantics<arbitrary>], iteration_bounds = array<i64: 5>, scalar_prefetch = 0 : i64, scratch_operands = 0 : i64, tpu.core_type = #tpu.core_type<tc>, window_params = [{transform_indices = @transform_0, window_bounds = array<i64: 2000, 128>}, {pipeline_mode = #tpu.pipeline_mode<synchronous>, transform_indices = @transform_1, window_bounds = array<i64: 128, 128>}, {pipeline_mode = #tpu.pipeline_mode<synchronous>, transform_indices = @transform_2, window_bounds = array<i64: 128, 128>}, {pipeline_mode = #tpu.pipeline_mode<synchronous>, transform_indices = @transform_3, window_bounds = array<i64: 1, 128>}, {transform_indices = @transform_4, window_bounds = array<i64: 2, 2000, 128>}, {transform_indices = @transform_5, window_bounds = array<i64: 2000, 2>}, {pipeline_mode = #tpu.pipeline_mode<synchronous>, transform_indices = @transform_6, window_bounds = array<i64: 128, 64>}, {pipeline_mode = #tpu.pipeline_mode<synchronous>, transform_indices = @transform_7, window_bounds = array<i64: 1, 64>}, {transform_indices = @transform_8, window_bounds = array<i64: 2000, 64>}]} {
    %get3A = arith.constant 0 : index
    %get3A_0 = arith.constant 0 : index
    %get3A_1 = arith.constant 0 : index
    %get3A_2 = vector.load %arg5[%get3A, %get3A_0, %get3A_1] : memref<2x2000x128xf32, #tpu.memory_space<vmem>>, vector<1x2000x128xf32>
    %get3A_3 = vector.shape_cast %get3A_2 : vector<1x2000x128xf32> to vector<2000x128xf32>
    %get3A_4 = arith.constant 1 : index
    %get3A_5 = arith.constant 0 : index
    %get3A_6 = arith.constant 0 : index
    %get3A_7 = vector.load %arg5[%get3A_4, %get3A_5, %get3A_6] : memref<2x2000x128xf32, #tpu.memory_space<vmem>>, vector<1x2000x128xf32>
    %get3A_8 = vector.shape_cast %get3A_7 : vector<1x2000x128xf32> to vector<2000x128xf32>
    %add3A = arith.addf %get3A_3, %get3A_8 : vector<2000x128xf32>
    %get3A_9 = arith.constant 0 : index
    %get3A_10 = arith.constant 0 : index
    %get3A_11 = vector.load %arg6[%get3A_9, %get3A_10] : memref<2000x2xf32, #tpu.memory_space<vmem>>, vector<2000x1xf32>
    %get3A_12 = arith.constant 0 : index
    %get3A_13 = arith.constant 1 : index
    %get3A_14 = vector.load %arg6[%get3A_12, %get3A_13] : memref<2000x2xf32, #tpu.memory_space<vmem>>, vector<2000x1xf32>
    %add3A_15 = arith.addf %get3A_11, %get3A_14 : vector<2000x1xf32>
    %max3A = arith.constant 1.000000e+00 : f32
    %max3A_16 = vector.broadcast %max3A : f32 to vector<2000x1xf32>
    %max3A_17 = arith.maximumf %add3A_15, %max3A_16 : vector<2000x1xf32>
    %div3A = arith.constant 1.000000e+00 : f32
    %div3A_18 = vector.broadcast %div3A : f32 to vector<2000x1xf32>
    %div3A_19 = arith.divf %div3A_18, %max3A_17 : vector<2000x1xf32>
    %mul3A = vector.broadcast %div3A_19 : vector<2000x1xf32> to vector<2000x128xf32>
    %mul3A_20 = arith.mulf %add3A, %mul3A : vector<2000x128xf32>
    %get3A_21 = arith.constant 0 : index
    %get3A_22 = arith.constant 0 : index
    %get3A_23 = vector.load %arg1[%get3A_21, %get3A_22] : memref<2000x128xf32, #tpu.memory_space<vmem>>, vector<2000x128xf32>
    %get3A_24 = arith.constant 0 : index
    %get3A_25 = arith.constant 0 : index
    %get3A_26 = vector.load %arg2[%get3A_24, %get3A_25] : memref<128x128xf32, #tpu.memory_space<vmem>>, vector<128x128xf32>
    %dot_general3A = arith.constant dense<0.000000e+00> : vector<2000x128xf32>
    %dot_general3A_27 = tpu.matmul %get3A_23, %get3A_26, %dot_general3A {dimension_numbers = #tpu.dot_dimension_numbers<[1], [0], [0], [1], [0, 0, 1, 1], [], []>, transpose_lhs_hint = false} : vector<2000x128xf32>, vector<128x128xf32>, vector<2000x128xf32> -> vector<2000x128xf32>
    %get3A_28 = arith.constant 0 : index
    %get3A_29 = arith.constant 0 : index
    %get3A_30 = vector.load %arg3[%get3A_28, %get3A_29] : memref<128x128xf32, #tpu.memory_space<vmem>>, vector<128x128xf32>
    %dot_general3A_31 = arith.constant dense<0.000000e+00> : vector<2000x128xf32>
    %dot_general3A_32 = tpu.matmul %mul3A_20, %get3A_30, %dot_general3A_31 {dimension_numbers = #tpu.dot_dimension_numbers<[1], [0], [0], [1], [0, 0, 1, 1], [], []>, transpose_lhs_hint = false} : vector<2000x128xf32>, vector<128x128xf32>, vector<2000x128xf32> -> vector<2000x128xf32>
    %add3A_33 = arith.addf %dot_general3A_27, %dot_general3A_32 : vector<2000x128xf32>
    %get3A_34 = arith.constant 0 : index
    %get3A_35 = arith.constant 0 : index
    %get3A_36 = vector.load %arg4[%get3A_34, %get3A_35] : memref<1x128xf32, #tpu.memory_space<vmem>>, vector<1x128xf32>
    %add3A_37 = vector.broadcast %get3A_36 : vector<1x128xf32> to vector<2000x128xf32>
    %add3A_38 = arith.addf %add3A_33, %add3A_37 : vector<2000x128xf32>
    %max3A_39 = arith.constant 0.000000e+00 : f32
    %max3A_40 = vector.broadcast %max3A_39 : f32 to vector<2000x128xf32>
    %max3A_41 = arith.maximumf %add3A_38, %max3A_40 : vector<2000x128xf32>
    %get3A_42 = arith.constant 0 : index
    %get3A_43 = arith.constant 0 : index
    %get3A_44 = vector.load %arg7[%get3A_42, %get3A_43] : memref<128x64xf32, #tpu.memory_space<vmem>>, vector<128x64xf32>
    %dot_general3A_45 = arith.constant dense<0.000000e+00> : vector<2000x64xf32>
    %dot_general3A_46 = tpu.matmul %max3A_41, %get3A_44, %dot_general3A_45 {dimension_numbers = #tpu.dot_dimension_numbers<[1], [0], [0], [1], [0, 0, 1, 1], [], []>, transpose_lhs_hint = false} : vector<2000x128xf32>, vector<128x64xf32>, vector<2000x64xf32> -> vector<2000x64xf32>
    %get3A_47 = arith.constant 0 : index
    %get3A_48 = arith.constant 0 : index
    %get3A_49 = vector.load %arg8[%get3A_47, %get3A_48] : memref<1x64xf32, #tpu.memory_space<vmem>>, vector<1x64xf32>
    %add3A_50 = vector.broadcast %get3A_49 : vector<1x64xf32> to vector<2000x64xf32>
    %add3A_51 = arith.addf %dot_general3A_46, %add3A_50 : vector<2000x64xf32>
    %swap3A = arith.constant 0 : index
    %swap3A_52 = arith.constant 0 : index
    %swap3A_53 = vector.load %arg9[%swap3A, %swap3A_52] : memref<2000x64xf32, #tpu.memory_space<vmem>>, vector<2000x64xf32>
    tpu.vector_store %arg9[%swap3A, %swap3A_52], %add3A_51 {strides = array<i32>} : memref<2000x64xf32, #tpu.memory_space<vmem>>, vector<2000x64xf32>,
    return
  }
  func.func @transform_0(%arg0: i32) -> (i32, i32) {
    %c0_i32 = arith.constant 0 : i32
    %c0_i32_0 = arith.constant 0 : i32
    return %arg0, %c0_i32 : i32, i32
  }
  func.func @transform_1(%arg0: i32) -> (i32, i32) {
    %c0_i32 = arith.constant 0 : i32
    %c0_i32_0 = arith.constant 0 : i32
    %c0_i32_1 = arith.constant 0 : i32
    return %c0_i32, %c0_i32_0 : i32, i32
  }
  func.func @transform_2(%arg0: i32) -> (i32, i32) {
    %c0_i32 = arith.constant 0 : i32
    %c0_i32_0 = arith.constant 0 : i32
    %c0_i32_1 = arith.constant 0 : i32
    return %c0_i32, %c0_i32_0 : i32, i32
  }
  func.func @transform_3(%arg0: i32) -> (i32, i32) {
    %c0_i32 = arith.constant 0 : i32
    %c0_i32_0 = arith.constant 0 : i32
    %c0_i32_1 = arith.constant 0 : i32
    return %c0_i32, %c0_i32_0 : i32, i32
  }
  func.func @transform_4(%arg0: i32) -> (i32, i32, i32) {
    %c0_i32 = arith.constant 0 : i32
    %c0_i32_0 = arith.constant 0 : i32
    %c0_i32_1 = arith.constant 0 : i32
    return %c0_i32, %arg0, %c0_i32_0 : i32, i32, i32
  }
  func.func @transform_5(%arg0: i32) -> (i32, i32) {
    %c0_i32 = arith.constant 0 : i32
    %c0_i32_0 = arith.constant 0 : i32
    return %arg0, %c0_i32 : i32, i32
  }
  func.func @transform_6(%arg0: i32) -> (i32, i32) {
    %c0_i32 = arith.constant 0 : i32
    %c0_i32_0 = arith.constant 0 : i32
    %c0_i32_1 = arith.constant 0 : i32
    return %c0_i32, %c0_i32_0 : i32, i32
  }
  func.func @transform_7(%arg0: i32) -> (i32, i32) {
    %c0_i32 = arith.constant 0 : i32
    %c0_i32_0 = arith.constant 0 : i32
    %c0_i32_1 = arith.constant 0 : i32
    return %c0_i32, %c0_i32_0 : i32, i32
  }
  func.func @transform_8(%arg0: i32) -> (i32, i32) {
    %c0_i32 = arith.constant 0 : i32
    %c0_i32_0 = arith.constant 0 : i32
    return %arg0, %c0_i32 : i32, i32
  }
}

</mosaic_0001>

<sc_bundles>
// kernel: kernel.6.cloned.1.call-start
scs
__scs_entry_jumppad:
0x0: {  	(pc) =	sbr.rel $0x88, $3  }
0x1: {  	(tag) =	ssettag $0x0;
	lr =	simm.s32 $0x1  }
0x2: {  	[smem:$0x3F97] =	sst lr;
	_ =	strace $0xD0000000  }
0x3: {  	_ = 	snop  }
0x4: {  	_ = 	snop  }
0x5: {  	_ = 	snop  }
0x6: {  	_ = 	snop  }
0x7: {  	_ = 	snop  }
__scs_overlays_trampoline_lowered:
0x8: {  	[smem:$0x3FA6] =	sst s0  }
0x9: {  	[smem:$0x3FA7] =	sst s1  }
0xa: {  	[smem:$0x3FA8] =	sst s2  }
0xb: {  	[smem:$0x3FA9] =	sst s3  }
0xc: {  	[smem:$0x3FAA] =	sst s4  }
0xd: {  	[smem:$0x3FAB] =	sst s5  }
0xe: {  	[smem:$0x3FAC] =	sst s6  }
0xf: {  	[smem:$0x3FAD] =	sst s7  }
0x10: {  	[smem:$0x3FAE] =	sst s8  }
0x11: {  	[smem:$0x3FAF] =	sst s9;
	s0 =	simm.s32 @!p0 $0x0  }
0x12: {  	s1 =	sld [smem:$0x3F95];
	s0 =	simm.s32 @p0 $0x1  }
0x13: {  	[smem:$0x3FB0] =	sst s0;
	s0 =	simm.s32 @!p1 $0x0  }
0x14: {  	s2 =	sld [smem:$0x3F94];
	s0 =	simm.s32 @p1 $0x1  }
0x15: {  	[smem:$0x3FB1] =	sst s0;
	s0 =	simm.s32 @!p2 $0x0  }
0x16: {  	s3 =	sld [smem:$0x3FDB];
	s0 =	simm.s32 @p2 $0x1  }
0x17: {  	s4 =	simm.s32 $0x1BF5;
	[smem:$0x3FB3] =	sst s0  }
0x18: {  	s0 =	sld [smem:$0x3F96];
	_ =	swait.ge [sflag:s4], $0x0  }
0x19: {  	s7 =	sld [smem:$0x3F97]  }
0x1a: {  	s8 =	sadd.s32 $0xFFFFE003, lr  }
0x1b: {  	s9 =	sadd.s32 $0xFFFFFEF7, lr;
	s5 =	simm.s32 $0xFFFFFFFF;
	p2 =	slt.u32 s8, $0xFFFFF086  }
0x1c: {  	p1 =	slt.u32 s9, $0xF7A;
	s5 =	simm.s32 @!p2 $0x0  }
0x1d: {  	s5 =	simm.s32 @p1 $0x1;
	p0 =	seq.s32 s7, s2  }
0x1e: {  	s7 =	smul.u32 @!p0 $0xF7A, s2;
	p2 =	seq.s32 @!p0 s5, $0x0  }
0x1f: {  	s9 =	smul.u32 $0xF7A, s1;
	s8 =	simm.s32 @!p0 $0x1BF5;
	p2 =	por !p2, p0  }
0x20: {  	[sflag:s8] =	ssyncset.s32 @!p0 $0xFFFFF086;
	s6 =	sadd.s32 @!p0 s3, s7;
	s7 =	simm.s32 @!p0 $0x108  }
0x21: {  	s3 =	sadd.s32 s3, s9;
	s6 =	sadd.s32 @!p0 $0x88, s6;
	s7 =	simm.s32 @p2 $0x1082  }
0x22: {  	[simem:s7], [sflag:s8] =	dma.local @!p0 [hbm:s6], $0xF7A  }
0x23: {  	s9 =	sor.u32 $0xD0000000, s2;
	s6 =	simm.s32 $0x108;
	_ =	swait.ge @!p0 [sflag:s8], $0x0  }
0x24: {  	s3 =	sadd.s32 $0x88, s3;
	s6 =	simm.s32 @!p1 $0x1082;
	[sflag:s4] =	ssyncset.s32 $0xFFFFF086  }
0x25: {  	[simem:s6], [sflag:s4] =	dma.local [hbm:s3], $0xF7A  }
0x26: {  	[smem:$0x3F97] =	sst s1;
	(tag) =	ssettag s2;
	_ =	strace s9  }
0x27: {  	s1 =	sld [smem:$0x3FA7]  }
0x28: {  	s2 =	sld [smem:$0x3FA8]  }
0x29: {  	s4 =	sld [smem:$0x3FAA]  }
0x2a: {  	p0 =	seq.s32 s5, $0x0;
	s5 =	sld [smem:$0x3FAB]  }
0x2b: {  	s6 =	sld [smem:$0x3FAC]  }
0x2c: {  	s7 =	sld [smem:$0x3FAD]  }
0x2d: {  	s3 =	simm.s32 $0x108;
	s8 =	sld [smem:$0x3FAE]  }
0x2e: {  	s3 =	simm.s32 @!p0 $0x1082;
	s9 =	sld [smem:$0x3FAF]  }
0x2f: {  	lr =	sadd.s32 s0, s3;
	s0 =	sld [smem:$0x3FA6]  }
0x30: {  	s3 =	sld [smem:$0x3FA9]  }
0x31: {  	[smem:$0x3FB2] =	sst s10  }
0x32: {  	s10 =	sld [smem:$0x3FB0];
	_ =	sdelay $0x3  }
0x33: {  	p0 =	seq.s32 s10, $0x1;
	s10 =	sld [smem:$0x3FB2];
	_ =	sdelay $0x3  }
0x34: {  	[smem:$0x3FB2] =	sst s10  }
0x35: {  	s10 =	sld [smem:$0x3FB1];
	_ =	sdelay $0x3  }
0x36: {  	p1 =	seq.s32 s10, $0x1;
	s10 =	sld [smem:$0x3FB2];
	_ =	sdelay $0x3  }
0x37: {  	[smem:$0x3FB2] =	sst s10  }
0x38: {  	s10 =	sld [smem:$0x3FB3]  }
0x39: {  	_ = 	snop;
	(pc) =	sbr.ind lr, $3  }
0x3a: {  	_ = 	snop  }
0x3b: {  	_ = 	snop  }
0x3c: {  	p2 =	seq.s32 s10, $0x1;
	s10 =	sld [smem:$0x3FB2]  }
0x3d: {  	_ =	shalt  }
0x3e: {  	_ =	shalt  }
0x3f: {  	_ =	shalt  }
0x40: {  	_ =	shalt  }
0x41: {  	_ =	shalt  }
0x42: {  	_ =	shalt  }
0x43: {  	_ =	shalt  }
0x44: {  	_ =	shalt  }
0x45: {  	_ =	shalt  }
0x46: {  	_ =	shalt  }
0x47: {  	_ =	shalt  }
0x48: {  	_ =	shalt  }
0x49: {  	_ =	shalt  }
0x4a: {  	_ =	shalt  }
0x4b: {  	_ =	shalt  }
0x4c: {  	_ =	shalt  }
0x4d: {  	_ =	shalt  }
0x4e: {  	_ =	shalt  }
0x4f: {  	_ =	shalt  }
0x50: {  	_ =	shalt  }
0x51: {  	_ =	shalt  }
0x52: {  	_ =	shalt  }
0x53: {  	_ =	shalt  }
0x54: {  	_ =	shalt  }
0x55: {  	_ =	shalt  }
0x56: {  	_ =	shalt  }
0x57: {  	_ =	shalt  }
0x58: {  	_ =	shalt  }
0x59: {  	_ =	shalt  }
0x5a: {  	_ =	shalt  }
0x5b: {  	_ =	shalt  }
0x5c: {  	_ =	shalt  }
0x5d: {  	_ =	shalt  }
0x5e: {  	_ =	shalt  }
0x5f: {  	_ =	shalt  }
0x60: {  	_ =	shalt  }
0x61: {  	_ =	shalt  }
0x62: {  	_ =	shalt  }
0x63: {  	_ =	shalt  }
0x64: {  	_ =	shalt  }
0x65: {  	_ =	shalt  }
0x66: {  	_ =	shalt  }
0x67: {  	_ =	shalt  }
0x68: {  	_ =	shalt  }
0x69: {  	_ =	shalt  }
0x6a: {  	_ =	shalt  }
0x6b: {  	_ =	shalt  }
0x6c: {  	_ =	shalt  }
0x6d: {  	_ =	shalt  }
0x6e: {  	_ =	shalt  }
0x6f: {  	_ =	shalt  }
0x70: {  	_ =	shalt  }
0x71: {  	_ =	shalt  }
0x72: {  	_ =	shalt  }
0x73: {  	_ =	shalt  }
0x74: {  	_ =	shalt  }
0x75: {  	_ =	shalt  }
0x76: {  	_ =	shalt  }
0x77: {  	_ =	shalt  }
0x78: {  	_ =	shalt  }
0x79: {  	_ =	shalt  }
0x7a: {  	_ =	shalt  }
0x7b: {  	_ =	shalt  }
0x7c: {  	_ =	shalt  }
0x7d: {  	_ =	shalt  }
0x7e: {  	_ =	shalt  }
0x7f: {  	_ =	shalt  }
0x80: {  	_ =	shalt  }
0x81: {  	_ =	shalt  }
0x82: {  	_ =	shalt  }
0x83: {  	_ =	shalt  }
0x84: {  	_ =	shalt  }
0x85: {  	_ =	shalt  }
0x86: {  	_ =	shalt  }
0x87: {  	_ =	shalt  }
.Lfunc_end0:
.L_simem_size_0:
called_computation_lowered:
.L_overlay_start_0:
0x88: {  	s2 =	sld [smem:$0x3FD9]  }
0x89: {  	s3 =	sld [smem:$0x3FFE];
	_ =	sdelay $0x1  }
0x8a: {  	s1 =	srdreg.scid  }
0x8b: {  	s0 =	sand.u32 $0x1, s1  }
0x8c: {  	s17 =	sshll.u32 s0, $0xA;
	s2 =	sadd.s32 s3, s2  }
0x8d: {  	s2 =	sadd.s32 s2, s17  }
0x8e: {  	[smem:$0x3FBE] =	sst s2  }
0x8f: {  	_ = 	snop  }
0x90: {  	s2 =	sld [smem:$0x3FC9]  }
0x91: {  	s18 =	sld [smem:$0x3FD0];
	(tm) =	ssettm $0x1  }
0x92: {  	s4 =	sld [smem:$0x3FFB];
	_ =	sdelay $0x3  }
0x93: {  	_ =	strace s4  }
0x94: {  	s4 =	sld [smem:$0x3FFC];
	_ =	sdelay $0x3  }
0x95: {  	_ =	strace s4  }
0x96: {  	s4 =	sld [smem:$0x3FFD];
	_ =	sdelay $0x3  }
0x97: {  	_ =	strace s4  }
0x98: {  	_ =	strace $0x8FFFFFFF  }
0x99: {  	s19 =	sld [smem:$0x3FDB];
	_ =	sdelay $0x1  }
0x9a: {  	s5 =	simm.s32 $_scs_section_size  }
0x9b: {  	s6 =	simm.s32 $_size__tile_overlayer_lowered;
	s7 =	simm.s32 $_tile_overlayer_lowered  }
0x9c: {  	s22 =	simm.s32 $0x1BFF;
	s21 =	sshll.u32 s7, $0x1;
	s4 =	sadd.s32 s5, s19  }
0x9d: {  	s8 =	simm.s32 $0x0;
	s20 =	sshll.u32 s6, $0x1;
	s6 =	sadd.s32 s21, s4  }
0x9e: {  	[timem:s8], [sflag:s22] =	dma.local [hbm:s6], s20  }
0x9f: {  	_ =	swait.ge [sflag:s22], s20  }
0xa0: {  	s5 =	ssub.s32 $0x0, s20;
	[sflag:s22] =	ssyncset.done $0x0  }
0xa1: {  	[sflag:s22] =	ssyncadd.s32 s5;
	_ =	sdelay $0x1  }
0xa2: {  	s23 =	simm.s32 $0x1B8B  }
0xa3: {  	_ =	swait.ge [sflag:s23], $0x1  }
0xa4: {  	[sflag:s23] =	ssyncset.done $0x0  }
0xa5: {  	s25 =	simm.s32 $0x1B8E;
	s24 =	sld [smem:$0x3FFE];
	[sflag:s23] =	ssyncadd.s32 $0xFFFFFFFF  }
0xa6: {  	s26 =	simm.s32 $execute0_lowered;
	[smem:$0x3FD2] =	sst s25  }
0xa7: {  	s6 =	sshll.u32 s26, $0x1;
	_ =	strace $0x80000046;
	[dreg:$0x1] =	wrdreg $0xFFFFFFFF  }
0xa8: {  	s28 =	simm.s32 $_size_execute0_lowered;
	s4 =	sadd.s32 s4, s6;
	[dreg:$0x0] =	wrdreg $0x0  }
0xa9: {  	s6 =	sshll.u32 s28, $0x1;
	[dreg:$0x2] =	wrdreg s4  }
0xaa: {  	[dreg:$0x3] =	wrdreg s6  }
0xab: {  	[dreg:$0x4] =	wrdreg $0xC0  }
0xac: {  	_ =	task [dreg:s8], $0x5FFFF  }
0xad: {  	[dreg:$0x1] =	wrdreg $0xFFFFFFFF  }
0xae: {  	[dreg:$0x0] =	wrdreg $0x60  }
0xaf: {  	[dreg:$0x2] =	wrdreg s2  }
0xb0: {  	[dreg:$0x3] =	wrdreg s24  }
0xb1: {  	[dreg:$0x4] =	wrdreg s18  }
0xb2: {  	[dreg:$0x5] =	wrdreg $0x70800  }
0xb3: {  	[dreg:$0x6] =	wrdreg $0x1B0800  }
0xb4: {  	[dreg:$0x7] =	wrdreg $0x9  }
0xb5: {  	_ =	task.clear_ibuf [dreg:s8], $0x8FFFF;
	_ =	strace $0x90000046  }
0xb6: {  	s29 =	simm.s32 $0x9;
	_ =	strace $0x80000048  }
0xb7: {  	_ =	swait.ge [sflag:s29], $0x1  }
0xb8: {  	[sflag:s29] =	ssyncadd.s32 $0xFFFFFFFF  }
0xb9: {  	_ =	strace $0x90000048  }
0xba: {  	_ =	sfence  }
0xbb: {  	s30 =	sld [smem:$0x0];
	_ =	sdelay $0x2  }
0xbc: {  	s31 =	sshll.u32 s1, $0xD;
	s1 =	sshrl.u32 s1, $0x2  }
0xbd: {  	s3 =	sand.u32 $0x4000, s31;
	s1 =	sadd.s32 s1, s30  }
0xbe: {  	s0 =	sor.u32 s3, s0;
	s1 =	sshll.u32 s1, $0x11  }
0xbf: {  	s0 =	sor.u32 s1, s0  }
0xc0: {  	s0 =	sadd.s32 $0x8F2B, s0  }
0xc1: {  	[sflag:s0] =	ssyncadd.remote.s32 $0x1  }
0xc2: {  	_ =	sfence.sel $0xFFFF  }
0xc3: {  	[dreg:$0x0] =	wrdreg $0xFFFFFFFF;
	(pc) =	sbr.abs _section_cstart, $3  }
0xc4: {  	[dreg:$0x1] =	wrdreg $0xFFFFFFFF  }
0xc5: {  	_ =	task.clear_ibuf [dreg:s8], $0x2FFFF;
	_ =	strace $0x9FFFFFFF  }
0xc6: {  	(tm) =	ssettm $0x7FFFFFFF  }
0xc7: {  	_ =	shalt  }
tec
execute0_lowered:
.L_overlay_start_1:
0x0: {  	(tag) =	ssettag $0x1  }
0x1: {  	s0 =	rddreg [dreg:$0x0]  }
0x2: {  	s2 =	rddreg [dreg:$0x1]  }
0x3: {  	s4 =	rddreg [dreg:$0x3];
	s3 =	srdreg.scid  }
0x4: {  	s5 =	rddreg [dreg:$0x4];
	s1 =	stileid.u32;
	s6 =	simm.s32 $0x0  }
0x5: {  	s15 =	simm.s32 $0x5;
	s17 =	simm.s32 $0x1000;
	s18 =	simm.s32 $0x50  }
0x6: {  	s19 =	simm.s32 $0x2000;
	s20 =	simm.s32 $0x80;
	s21 =	simm.s32 $0x4800  }
0x7: {  	s28 =	simm.s32 $0x1080;
	s29 =	simm.s32 $0x4;
	s8 =	smul.u32 $0x14000, s1  }
0x8: {  	s30 =	simm.s32 $0x1C00;
	s31 =	simm.s32 $0x0;
	s10 =	smul.u32 $0x280, s1  }
0x9: {  	s3 =	sand.u32 $0x1, s3;
	[smem:$0x7FF] =	sst s6;
	s14 =	smul.u32 $0x50000, s1  }
0xa: {  	s22 =	sadd.s32 $0x2A800, s2;
	s26 =	sshll.u32 s1, $0x6;
	s7 =	smul.u32 $0x140000, s3  }
0xb: {  	_ =	strace $0x80000047;
	s11 =	smul.u32 $0x2800, s3;
	[dreg:$0x6] =	wrdreg s22  }
0xc: {  	s24 =	ssub.s32 $0x2, s3;
	s3 =	sshll.u32 s3, $0x4;
	s22 =	simm.s32 $0x1  }
0xd: {  	s13 =	sshrl.u32 s24, $0x1;
	s3 =	sor.u32 s1, s3;
	s25 =	sshrl.u32 s14, $0x2  }
0xe: {  	s16 =	sadd.s32 s10, s5;
	s9 =	sadd.s32 s8, s7;
	s7 =	sadd.s32 $0x2800, s2  }
0xf: {  	s23 =	sadd.s32 s10, s11;
	s13 =	ssub.s32 s24, s13;
	s14 =	sadd.s32 s25, s4  }
0x10: {  	s10 =	smul.u32 $0x5000, s3;
	s16 =	sshrl.u32 s16, $0x3;
	s24 =	simm.s32 $0x2  }
0x11: {  	s25 =	simm.s32 $0x3;
	s9 =	sshrl.u32 s9, $0x3;
	s13 =	smax.u32 s13, $0x1  }
0x12: {  	s14 =	sshrl.u32 s14, $0x3;
	s12 =	sadd.s32 s9, s2;
	s9 =	sshrl.u32 s23, $0x3  }
0x13: {  	s23 =	simm.s32 $0x7000;
	s2 =	sadd.s32 s9, s2;
	s9 =	sor.u32 $0x1C05, s26  }
0x14: {  	v0 =	vimm.f32 $1.000000000e+00;
	s11 =	sadd.s32 $0x2B400, s12;
	s26 =	simm.s32 $0x100;
	s12 =	sadd.s32 $0x2AA00, s2  }
.LBB2_1:
0x15: {  	s1 =	rddreg [dreg:$0x2]  }
0x16: {  	[spmem:s14], [sflag:s9] =	dma.local [hbm:s1], $0x2800  }
0x17: {  	_ =	swait.ge [sflag:s15], $0x2800  }
0x18: {  	[sflag:s15] =	ssyncset.done $0x0  }
0x19: {  	s8 =	rddreg [dreg:$0x6];
	[sflag:s15] =	ssyncadd.s32 $0xFFFFD800  }
0x1a: {  	[spmem:s16], [sflag:s9] =	dma.local [hbm:s8], $0x50  }
0x1b: {  	_ =	swait.ge [sflag:s15], $0x50  }
0x1c: {  	[sflag:s15] =	ssyncset.done $0x0  }
0x1d: {  	[sflag:s15] =	ssyncadd.s32 $0xFFFFFFB0  }
0x1e: {  	[tilespmem:$0x7000] =	vst v0  }
0x1f: {  	[tilespmem:$0x7010] =	vst v0  }
0x20: {  	[tilespmem:$0x7020] =	vst v0  }
0x21: {  	[tilespmem:$0x7030] =	vst v0  }
0x22: {  	[tilespmem:$0x7040] =	vst v0  }
0x23: {  	s2 =	simm.s32 $0x0;
	[bflag:$0x0] =	sbarrier.arrive $0xFFFF  }
.LBB2_2:
0x24: {  	s3 =	sshll.u32 s2, $0xC  }
0x25: {  	s3 =	sadd.s32 s10, s3  }
0x26: {  	s3 =	sshrl.u32 s3, $0x3  }
0x27: {  	s3 =	sadd.s32 s7, s3  }
0x28: {  	[tilespmem:s6], [sflag:$0x5] =	stream.linear.gather [hbm4b:s3+s6], $0xC80, $0x38;
	[tilespmem:$0x1B300] =	vst v63  }
0x29: {  	_ =	swait.ge [sflag:s15], $0xC80  }
0x2a: {  	[sflag:s15] =	ssyncset.done $0x0  }
0x2b: {  	s3 =	sadd.s32 $0x14000, s3;
	[sflag:s15] =	ssyncadd.s32 $0xFFFFF380  }
0x2c: {  	[tilespmem:s17], [sflag:$0x5] =	stream.linear.gather [hbm4b:s3+s6], $0xC80, $0x38;
	[tilespmem:$0x1B300] =	vst v63  }
0x2d: {  	_ =	swait.ge [sflag:s15], $0xC80  }
0x2e: {  	[sflag:s15] =	ssyncset.done $0x0  }
0x2f: {  	[sflag:s15] =	ssyncadd.s32 $0xFFFFF380  }
0x30: {  	[tilespmem:s19], [sflag:$0x1] =	stream.indirect.gather [hbm4b:s0+s18], $0x80, s6, s18, $0xb8;
	[tilespmem:$0x1B300] =	vst v63  }
0x31: {  	_ = 	snop  }
0x32: {  	[tilespmem:s21], [sflag:$0x2] =	stream.indirect.gather [hbm4b:s0+s18], $0x80, s20, s18, $0xb8;
	[tilespmem:$0x1B300] =	vst v63  }
0x33: {  	_ =	swait.ge [sflag:s22], $0x2800  }
0x34: {  	[sflag:s22] =	ssyncset.done $0x0  }
0x35: {  	[sflag:s22] =	ssyncadd.s32 $0xFFFFD800  }
0x36: {  	[spmem:s4] =	stream.indirect.scatter.add.f32 [tilespmem:s19], [sflag:$0x3], $0x80, s17, s18, $0xb8;
	[tilespmem:$0x1B300] =	vst v63  }
0x37: {  	_ = 	snop  }
0x38: {  	[spmem:s5] =	stream.indirect.scatter.add.f32 [tilespmem:s23], [sflag:$0x5], $0x1, s17, s18, $0xb8;
	[tilespmem:$0x1B300] =	vst v63  }
0x39: {  	_ =	swait.ge [sflag:s15], $0x50  }
0x3a: {  	[sflag:s15] =	ssyncset.done $0x0  }
0x3b: {  	[sflag:s15] =	ssyncadd.s32 $0xFFFFFFB0  }
0x3c: {  	_ =	swait.ge [sflag:s24], $0x2800  }
0x3d: {  	[sflag:s24] =	ssyncset.done $0x0  }
0x3e: {  	[sflag:s24] =	ssyncadd.s32 $0xFFFFD800  }
0x3f: {  	_ =	swait.ge [sflag:s25], $0x2800  }
0x40: {  	[sflag:s25] =	ssyncset.done $0x0  }
0x41: {  	[sflag:s25] =	ssyncadd.s32 $0xFFFFD800  }
0x42: {  	[tilespmem:s19], [sflag:$0x1] =	stream.indirect.gather [hbm4b:s0+s18], $0x80, s26, s18, $0xb8;
	[tilespmem:$0x1B300] =	vst v63  }
0x43: {  	_ = 	snop  }
0x44: {  	[spmem:s4] =	stream.indirect.scatter.add.f32 [tilespmem:s21], [sflag:$0x4], $0x80, s28, s18, $0xb8;
	[tilespmem:$0x1B300] =	vst v63  }
0x45: {  	_ = 	snop  }
0x46: {  	[spmem:s5] =	stream.indirect.scatter.add.f32 [tilespmem:s23], [sflag:$0x5], $0x1, s28, s18, $0xb8;
	[tilespmem:$0x1B300] =	vst v63  }
0x47: {  	_ =	swait.ge [sflag:s15], $0x50  }
0x48: {  	[sflag:s15] =	ssyncset.done $0x0  }
0x49: {  	[sflag:s15] =	ssyncadd.s32 $0xFFFFFFB0  }
0x4a: {  	_ =	swait.ge [sflag:s29], $0x2800  }
0x4b: {  	[sflag:s29] =	ssyncset.done $0x0  }
0x4c: {  	s1 =	simm.s32 $0x180;
	[sflag:s29] =	ssyncadd.s32 $0xFFFFD800  }
0x4d: {  	[tilespmem:s21], [sflag:$0x2] =	stream.indirect.gather [hbm4b:s0+s18], $0x80, s1, s18, $0xb8;
	[tilespmem:$0x1B300] =	vst v63  }
0x4e: {  	_ =	swait.ge [sflag:s22], $0x2800  }
0x4f: {  	[sflag:s22] =	ssyncset.done $0x0  }
0x50: {  	s8 =	simm.s32 $0x1100;
	[sflag:s22] =	ssyncadd.s32 $0xFFFFD800  }
0x51: {  	[spmem:s4] =	stream.indirect.scatter.add.f32 [tilespmem:s19], [sflag:$0x3], $0x80, s8, s18, $0xb8;
	[tilespmem:$0x1B300] =	vst v63  }
0x52: {  	_ = 	snop  }
0x53: {  	[spmem:s5] =	stream.indirect.scatter.add.f32 [tilespmem:s23], [sflag:$0x5], $0x1, s8, s18, $0xb8;
	[tilespmem:$0x1B300] =	vst v63  }
0x54: {  	_ =	swait.ge [sflag:s15], $0x50  }
0x55: {  	[sflag:s15] =	ssyncset.done $0x0  }
0x56: {  	[sflag:s15] =	ssyncadd.s32 $0xFFFFFFB0  }
0x57: {  	_ =	swait.ge [sflag:s24], $0x2800  }
0x58: {  	[sflag:s24] =	ssyncset.done $0x0  }
0x59: {  	[sflag:s24] =	ssyncadd.s32 $0xFFFFD800  }
0x5a: {  	_ =	swait.ge [sflag:s25], $0x2800  }
0x5b: {  	[sflag:s25] =	ssyncset.done $0x0  }
0x5c: {  	s1 =	simm.s32 $0x200;
	[sflag:s25] =	ssyncadd.s32 $0xFFFFD800  }
0x5d: {  	[tilespmem:s19], [sflag:$0x1] =	stream.indirect.gather [hbm4b:s0+s18], $0x80, s1, s18, $0xb8;
	[tilespmem:$0x1B300] =	vst v63  }
0x5e: {  	s8 =	simm.s32 $0x1180  }
0x5f: {  	[spmem:s4] =	stream.indirect.scatter.add.f32 [tilespmem:s21], [sflag:$0x4], $0x80, s8, s18, $0xb8;
	[tilespmem:$0x1B300] =	vst v63  }
0x60: {  	_ = 	snop  }
0x61: {  	[spmem:s5] =	stream.indirect.scatter.add.f32 [tilespmem:s23], [sflag:$0x5], $0x1, s8, s18, $0xb8;
	[tilespmem:$0x1B300] =	vst v63  }
0x62: {  	_ =	swait.ge [sflag:s15], $0x50  }
0x63: {  	s3 =	simm.s32 $0xFFFFD800;
	[sflag:s15] =	ssyncset.done $0x0  }
.LBB2_3:
0x64: {  	p0 =	sne.s32 s3, $0xFFFFFC00  }
0x65: {  	[sflag:s15] =	ssyncadd.s32 $0xFFFFFFB0;
	s1 =	smov.u32 s3;
	s3 =	sadd.s32 $0x400, s3  }
0x66: {  	_ = 	snop  }
0x67: {  	_ =	swait.ge [sflag:s29], $0x2800  }
0x68: {  	s1 =	sshra.s32 s1, $0x2;
	[sflag:s29] =	ssyncset.done $0x0  }
0x69: {  	s8 =	sadd.s32 $0xC80, s1;
	[sflag:s29] =	ssyncadd.s32 $0xFFFFD800  }
0x6a: {  	[tilespmem:s21], [sflag:$0x2] =	stream.indirect.gather [hbm4b:s0+s18], $0x80, s8, s18, $0xb8;
	[tilespmem:$0x1B300] =	vst v63  }
0x6b: {  	_ =	swait.ge [sflag:s22], $0x2800  }
0x6c: {  	[sflag:s22] =	ssyncset.done $0x0  }
0x6d: {  	s8 =	sadd.s32 $0x1C00, s1;
	[sflag:s22] =	ssyncadd.s32 $0xFFFFD800  }
0x6e: {  	[spmem:s4] =	stream.indirect.scatter.add.f32 [tilespmem:s19], [sflag:$0x3], $0x80, s8, s18, $0xb8;
	[tilespmem:$0x1B300] =	vst v63  }
0x6f: {  	_ = 	snop  }
0x70: {  	[spmem:s5] =	stream.indirect.scatter.add.f32 [tilespmem:s23], [sflag:$0x5], $0x1, s8, s18, $0xb8;
	[tilespmem:$0x1B300] =	vst v63  }
0x71: {  	_ =	swait.ge [sflag:s15], $0x50  }
0x72: {  	[sflag:s15] =	ssyncset.done $0x0  }
0x73: {  	[sflag:s15] =	ssyncadd.s32 $0xFFFFFFB0  }
0x74: {  	_ =	swait.ge [sflag:s24], $0x2800  }
0x75: {  	[sflag:s24] =	ssyncset.done $0x0  }
0x76: {  	[sflag:s24] =	ssyncadd.s32 $0xFFFFD800  }
0x77: {  	_ =	swait.ge [sflag:s25], $0x2800  }
0x78: {  	[sflag:s25] =	ssyncset.done $0x0  }
0x79: {  	s8 =	sadd.s32 $0xD00, s1;
	[sflag:s25] =	ssyncadd.s32 $0xFFFFD800  }
0x7a: {  	[tilespmem:s19], [sflag:$0x1] =	stream.indirect.gather [hbm4b:s0+s18], $0x80, s8, s18, $0xb8;
	[tilespmem:$0x1B300] =	vst v63  }
0x7b: {  	s1 =	sadd.s32 $0x1C80, s1  }
0x7c: {  	[spmem:s4] =	stream.indirect.scatter.add.f32 [tilespmem:s21], [sflag:$0x4], $0x80, s1, s18, $0xb8;
	[tilespmem:$0x1B300] =	vst v63  }
.Ltmp0:
0x7d: {  	_ = 	snop;
	(pc) =	sbr.rel @p0 .LBB2_3-.Ltmp0, $4  }
0x7e: {  	_ = 	snop  }
0x7f: {  	[spmem:s5] =	stream.indirect.scatter.add.f32 [tilespmem:s23], [sflag:$0x5], $0x1, s1, s18, $0xb8;
	[tilespmem:$0x1B300] =	vst v63  }
0x80: {  	_ =	swait.ge [sflag:s15], $0x50  }
0x81: {  	[sflag:s15] =	ssyncset.done $0x0  }
0x82: {  	[sflag:s15] =	ssyncadd.s32 $0xFFFFFFB0  }
0x83: {  	_ =	swait.ge [sflag:s29], $0x2800  }
0x84: {  	[sflag:s29] =	ssyncset.done $0x0  }
0x85: {  	[sflag:s29] =	ssyncadd.s32 $0xFFFFD800  }
0x86: {  	_ =	swait.ge [sflag:s22], $0x2800  }
0x87: {  	[sflag:s22] =	ssyncset.done $0x0  }
0x88: {  	[sflag:s22] =	ssyncadd.s32 $0xFFFFD800  }
0x89: {  	[spmem:s4] =	stream.indirect.scatter.add.f32 [tilespmem:s19], [sflag:$0x5], $0x80, s30, s18, $0xb8;
	[tilespmem:$0x1B300] =	vst v63  }
0x8a: {  	s2 =	sadd.s32 $0x1, s2;
	_ =	swait.ge [sflag:s15], $0x2800  }
0x8b: {  	p0 =	sne.s32 s2, $0x5;
	[sflag:s15] =	ssyncset.done $0x0  }
.Ltmp1:
0x8c: {  	[sflag:s15] =	ssyncadd.s32 $0xFFFFD800;
	(pc) =	sbr.rel @p0 .LBB2_2-.Ltmp1, $4  }
0x8d: {  	[spmem:s5] =	stream.indirect.scatter.add.f32 [tilespmem:s23], [sflag:$0x5], $0x1, s30, s18, $0xb8;
	[tilespmem:$0x1B300] =	vst v63  }
0x8e: {  	_ =	swait.ge [sflag:s15], $0x50  }
0x8f: {  	[sflag:s15] =	ssyncset.done $0x0  }
0x90: {  	[sflag:s15] =	ssyncadd.s32 $0xFFFFFFB0  }
0x91: {  	[bflag:$0x0] =	sbarrier.arrive $0xFFFF  }
0x92: {  	[hbm:s11], [sflag:s9] =	dma.local [spmem:s14], $0x2800  }
0x93: {  	s31 =	sadd.s32 $0x1, s31;
	_ =	swait.ge [sflag:s15], $0x2800  }
0x94: {  	p0 =	sne.s32 s31, s13;
	[sflag:s15] =	ssyncset.done $0x0  }
.Ltmp2:
0x95: {  	[sflag:s15] =	ssyncadd.s32 $0xFFFFD800;
	(pc) =	sbr.rel @p0 .LBB2_1-.Ltmp2, $4  }
0x96: {  	[hbm:s12], [sflag:s9] =	dma.local [spmem:s16], $0x50  }
0x97: {  	_ =	swait.ge [sflag:s15], $0x50  }
0x98: {  	[sflag:s15] =	ssyncset.done $0x0  }
0x99: {  	[sflag:s15] =	ssyncadd.s32 $0xFFFFFFB0  }
0x9a: {  	_ =	sfence.sel $0x180000  }
0x9b: {  	[bflag:$0x0] =	sbarrier.arrive $0xFFFF  }
0x9c: {  	_ =	strace $0x90000047  }
0x9d: {  	s0 =	stileid.u32;
	[bflag:$0x2] =	sbarrier.arrive $0xFFFF  }
0x9e: {  	p0 =	sne.s32 s0, $0x0;
	s0 =	rddreg [dreg:$0x5]  }
0x9f: {  	s0 =	sadd.s32 @!p0 $0x100000, s0  }
0xa0: {  	[sflag:s0] =	ssyncadd.tile.s32 @!p0 $0x1;
	_ =	shalt  }
.Lfunc_end2:
_tile_overlayer_lowered:
.L_overlay_start_2:
0xa1: {  	(tag) =	ssettag $0x2  }
0xa2: {  	s0 =	rddreg [dreg:$0x0];
	s2 =	stileid.u32  }
0xa3: {  	s1 =	rddreg [dreg:$0x1];
	p0 =	sne.s32 s2, $0x0  }
0xa4: {  	s3 =	rddreg [dreg:$0x2];
	[bflag:$0x3] =	sbarrier.arrive $0xFFFF;
	s2 =	simm.s32 @!p0 $0x1C05  }
0xa5: {  	[timem:s3], [sflag:s2] =	dma.local @!p0 [hbm:s0], s1  }
0xa6: {  	s0 =	simm.s32 @!p0 $0x5  }
0xa7: {  	_ =	swait.ge @!p0 [sflag:s0], s1  }
0xa8: {  	s1 =	ssub.s32 @!p0 $0x0, s1;
	[sflag:s0] =	ssyncset.done @!p0 $0x0  }
0xa9: {  	[sflag:s0] =	ssyncadd.s32 @!p0 s1  }
0xaa: {  	[bflag:$0x3] =	sbarrier.arrive $0xFFFF  }
0xab: {  	_ =	shalt  }

// kernel: kernel.9.cloned.1.call-start
scs
__scs_entry_jumppad:
0x0: {  	(pc) =	sbr.rel $0x88, $3  }
0x1: {  	(tag) =	ssettag $0x0;
	lr =	simm.s32 $0x1  }
0x2: {  	[smem:$0x3F97] =	sst lr;
	_ =	strace $0xD0000000  }
0x3: {  	_ = 	snop  }
0x4: {  	_ = 	snop  }
0x5: {  	_ = 	snop  }
0x6: {  	_ = 	snop  }
0x7: {  	_ = 	snop  }
__scs_overlays_trampoline_lowered:
0x8: {  	[smem:$0x3FA6] =	sst s0  }
0x9: {  	[smem:$0x3FA7] =	sst s1  }
0xa: {  	[smem:$0x3FA8] =	sst s2  }
0xb: {  	[smem:$0x3FA9] =	sst s3  }
0xc: {  	[smem:$0x3FAA] =	sst s4  }
0xd: {  	[smem:$0x3FAB] =	sst s5  }
0xe: {  	[smem:$0x3FAC] =	sst s6  }
0xf: {  	[smem:$0x3FAD] =	sst s7  }
0x10: {  	[smem:$0x3FAE] =	sst s8  }
0x11: {  	[smem:$0x3FAF] =	sst s9;
	s0 =	simm.s32 @!p0 $0x0  }
0x12: {  	s1 =	sld [smem:$0x3F95];
	s0 =	simm.s32 @p0 $0x1  }
0x13: {  	[smem:$0x3FB0] =	sst s0;
	s0 =	simm.s32 @!p1 $0x0  }
0x14: {  	s2 =	sld [smem:$0x3F94];
	s0 =	simm.s32 @p1 $0x1  }
0x15: {  	[smem:$0x3FB1] =	sst s0;
	s0 =	simm.s32 @!p2 $0x0  }
0x16: {  	s3 =	sld [smem:$0x3FDB];
	s0 =	simm.s32 @p2 $0x1  }
0x17: {  	s4 =	simm.s32 $0x1BF5;
	[smem:$0x3FB3] =	sst s0  }
0x18: {  	s0 =	sld [smem:$0x3F96];
	_ =	swait.ge [sflag:s4], $0x0  }
0x19: {  	s7 =	sld [smem:$0x3F97]  }
0x1a: {  	s8 =	sadd.s32 $0xFFFFE003, lr  }
0x1b: {  	s9 =	sadd.s32 $0xFFFFFEF7, lr;
	s5 =	simm.s32 $0xFFFFFFFF;
	p2 =	slt.u32 s8, $0xFFFFF086  }
0x1c: {  	p1 =	slt.u32 s9, $0xF7A;
	s5 =	simm.s32 @!p2 $0x0  }
0x1d: {  	s5 =	simm.s32 @p1 $0x1;
	p0 =	seq.s32 s7, s2  }
0x1e: {  	s7 =	smul.u32 @!p0 $0xF7A, s2;
	p2 =	seq.s32 @!p0 s5, $0x0  }
0x1f: {  	s9 =	smul.u32 $0xF7A, s1;
	s8 =	simm.s32 @!p0 $0x1BF5;
	p2 =	por !p2, p0  }
0x20: {  	[sflag:s8] =	ssyncset.s32 @!p0 $0xFFFFF086;
	s6 =	sadd.s32 @!p0 s3, s7;
	s7 =	simm.s32 @!p0 $0x108  }
0x21: {  	s3 =	sadd.s32 s3, s9;
	s6 =	sadd.s32 @!p0 $0x88, s6;
	s7 =	simm.s32 @p2 $0x1082  }
0x22: {  	[simem:s7], [sflag:s8] =	dma.local @!p0 [hbm:s6], $0xF7A  }
0x23: {  	s9 =	sor.u32 $0xD0000000, s2;
	s6 =	simm.s32 $0x108;
	_ =	swait.ge @!p0 [sflag:s8], $0x0  }
0x24: {  	s3 =	sadd.s32 $0x88, s3;
	s6 =	simm.s32 @!p1 $0x1082;
	[sflag:s4] =	ssyncset.s32 $0xFFFFF086  }
0x25: {  	[simem:s6], [sflag:s4] =	dma.local [hbm:s3], $0xF7A  }
0x26: {  	[smem:$0x3F97] =	sst s1;
	(tag) =	ssettag s2;
	_ =	strace s9  }
0x27: {  	s1 =	sld [smem:$0x3FA7]  }
0x28: {  	s2 =	sld [smem:$0x3FA8]  }
0x29: {  	s4 =	sld [smem:$0x3FAA]  }
0x2a: {  	p0 =	seq.s32 s5, $0x0;
	s5 =	sld [smem:$0x3FAB]  }
0x2b: {  	s6 =	sld [smem:$0x3FAC]  }
0x2c: {  	s7 =	sld [smem:$0x3FAD]  }
0x2d: {  	s3 =	simm.s32 $0x108;
	s8 =	sld [smem:$0x3FAE]  }
0x2e: {  	s3 =	simm.s32 @!p0 $0x1082;
	s9 =	sld [smem:$0x3FAF]  }
0x2f: {  	lr =	sadd.s32 s0, s3;
	s0 =	sld [smem:$0x3FA6]  }
0x30: {  	s3 =	sld [smem:$0x3FA9]  }
0x31: {  	[smem:$0x3FB2] =	sst s10  }
0x32: {  	s10 =	sld [smem:$0x3FB0];
	_ =	sdelay $0x3  }
0x33: {  	p0 =	seq.s32 s10, $0x1;
	s10 =	sld [smem:$0x3FB2];
	_ =	sdelay $0x3  }
0x34: {  	[smem:$0x3FB2] =	sst s10  }
0x35: {  	s10 =	sld [smem:$0x3FB1];
	_ =	sdelay $0x3  }
0x36: {  	p1 =	seq.s32 s10, $0x1;
	s10 =	sld [smem:$0x3FB2];
	_ =	sdelay $0x3  }
0x37: {  	[smem:$0x3FB2] =	sst s10  }
0x38: {  	s10 =	sld [smem:$0x3FB3]  }
0x39: {  	_ = 	snop;
	(pc) =	sbr.ind lr, $3  }
0x3a: {  	_ = 	snop  }
0x3b: {  	_ = 	snop  }
0x3c: {  	p2 =	seq.s32 s10, $0x1;
	s10 =	sld [smem:$0x3FB2]  }
0x3d: {  	_ =	shalt  }
0x3e: {  	_ =	shalt  }
0x3f: {  	_ =	shalt  }
0x40: {  	_ =	shalt  }
0x41: {  	_ =	shalt  }
0x42: {  	_ =	shalt  }
0x43: {  	_ =	shalt  }
0x44: {  	_ =	shalt  }
0x45: {  	_ =	shalt  }
0x46: {  	_ =	shalt  }
0x47: {  	_ =	shalt  }
0x48: {  	_ =	shalt  }
0x49: {  	_ =	shalt  }
0x4a: {  	_ =	shalt  }
0x4b: {  	_ =	shalt  }
0x4c: {  	_ =	shalt  }
0x4d: {  	_ =	shalt  }
0x4e: {  	_ =	shalt  }
0x4f: {  	_ =	shalt  }
0x50: {  	_ =	shalt  }
0x51: {  	_ =	shalt  }
0x52: {  	_ =	shalt  }
0x53: {  	_ =	shalt  }
0x54: {  	_ =	shalt  }
0x55: {  	_ =	shalt  }
0x56: {  	_ =	shalt  }
0x57: {  	_ =	shalt  }
0x58: {  	_ =	shalt  }
0x59: {  	_ =	shalt  }
0x5a: {  	_ =	shalt  }
0x5b: {  	_ =	shalt  }
0x5c: {  	_ =	shalt  }
0x5d: {  	_ =	shalt  }
0x5e: {  	_ =	shalt  }
0x5f: {  	_ =	shalt  }
0x60: {  	_ =	shalt  }
0x61: {  	_ =	shalt  }
0x62: {  	_ =	shalt  }
0x63: {  	_ =	shalt  }
0x64: {  	_ =	shalt  }
0x65: {  	_ =	shalt  }
0x66: {  	_ =	shalt  }
0x67: {  	_ =	shalt  }
0x68: {  	_ =	shalt  }
0x69: {  	_ =	shalt  }
0x6a: {  	_ =	shalt  }
0x6b: {  	_ =	shalt  }
0x6c: {  	_ =	shalt  }
0x6d: {  	_ =	shalt  }
0x6e: {  	_ =	shalt  }
0x6f: {  	_ =	shalt  }
0x70: {  	_ =	shalt  }
0x71: {  	_ =	shalt  }
0x72: {  	_ =	shalt  }
0x73: {  	_ =	shalt  }
0x74: {  	_ =	shalt  }
0x75: {  	_ =	shalt  }
0x76: {  	_ =	shalt  }
0x77: {  	_ =	shalt  }
0x78: {  	_ =	shalt  }
0x79: {  	_ =	shalt  }
0x7a: {  	_ =	shalt  }
0x7b: {  	_ =	shalt  }
0x7c: {  	_ =	shalt  }
0x7d: {  	_ =	shalt  }
0x7e: {  	_ =	shalt  }
0x7f: {  	_ =	shalt  }
0x80: {  	_ =	shalt  }
0x81: {  	_ =	shalt  }
0x82: {  	_ =	shalt  }
0x83: {  	_ =	shalt  }
0x84: {  	_ =	shalt  }
0x85: {  	_ =	shalt  }
0x86: {  	_ =	shalt  }
0x87: {  	_ =	shalt  }
.Lfunc_end0:
.L_simem_size_0:
called_computation.1_lowered:
.L_overlay_start_0:
0x88: {  	s2 =	sld [smem:$0x3FD9]  }
0x89: {  	s3 =	sld [smem:$0x3FFE];
	_ =	sdelay $0x1  }
0x8a: {  	s1 =	srdreg.scid  }
0x8b: {  	s0 =	sand.u32 $0x1, s1  }
0x8c: {  	s17 =	sshll.u32 s0, $0xA;
	s2 =	sadd.s32 s3, s2  }
0x8d: {  	s2 =	sadd.s32 s2, s17  }
0x8e: {  	[smem:$0x3FBE] =	sst s2  }
0x8f: {  	_ = 	snop  }
0x90: {  	s2 =	sld [smem:$0x3FD0];
	(tm) =	ssettm $0x1  }
0x91: {  	s18 =	sld [smem:$0x3FFB];
	_ =	sdelay $0x3  }
0x92: {  	_ =	strace s18  }
0x93: {  	s3 =	sld [smem:$0x3FFC];
	_ =	sdelay $0x3  }
0x94: {  	_ =	strace s3  }
0x95: {  	s3 =	sld [smem:$0x3FFD];
	_ =	sdelay $0x3  }
0x96: {  	_ =	strace s3  }
0x97: {  	_ =	strace $0x8FFFFFFF  }
0x98: {  	s19 =	sld [smem:$0x3FDB];
	_ =	sdelay $0x1  }
0x99: {  	s4 =	simm.s32 $_scs_section_size  }
0x9a: {  	s5 =	simm.s32 $_size__tile_overlayer_lowered;
	s6 =	simm.s32 $_tile_overlayer_lowered  }
0x9b: {  	s22 =	simm.s32 $0x1BFF;
	s21 =	sshll.u32 s6, $0x1;
	s3 =	sadd.s32 s4, s19  }
0x9c: {  	s7 =	simm.s32 $0x0;
	s20 =	sshll.u32 s5, $0x1;
	s5 =	sadd.s32 s21, s3  }
0x9d: {  	[timem:s7], [sflag:s22] =	dma.local [hbm:s5], s20  }
0x9e: {  	_ =	swait.ge [sflag:s22], s20  }
0x9f: {  	s4 =	ssub.s32 $0x0, s20;
	[sflag:s22] =	ssyncset.done $0x0  }
0xa0: {  	[sflag:s22] =	ssyncadd.s32 s4;
	_ =	sdelay $0x1  }
0xa1: {  	s23 =	simm.s32 $0x1B8B  }
0xa2: {  	_ =	swait.ge [sflag:s23], $0x1  }
0xa3: {  	[sflag:s23] =	ssyncset.done $0x0  }
0xa4: {  	s25 =	simm.s32 $0x1B8E;
	s24 =	sld [smem:$0x3FFE];
	[sflag:s23] =	ssyncadd.s32 $0xFFFFFFFF  }
0xa5: {  	s26 =	simm.s32 $execute0_lowered;
	[smem:$0x3FD2] =	sst s25  }
0xa6: {  	s5 =	sshll.u32 s26, $0x1;
	_ =	strace $0x80000049;
	[dreg:$0x1] =	wrdreg $0xFFFFFFFF  }
0xa7: {  	s28 =	simm.s32 $_size_execute0_lowered;
	s3 =	sadd.s32 s3, s5;
	[dreg:$0x0] =	wrdreg $0x0  }
0xa8: {  	s5 =	sshll.u32 s28, $0x1;
	[dreg:$0x2] =	wrdreg s3  }
0xa9: {  	[dreg:$0x3] =	wrdreg s5  }
0xaa: {  	[dreg:$0x4] =	wrdreg $0xC0  }
0xab: {  	_ =	task [dreg:s7], $0x5FFFF  }
0xac: {  	[dreg:$0x1] =	wrdreg $0xFFFFFFFF  }
0xad: {  	[dreg:$0x0] =	wrdreg $0x60  }
0xae: {  	[dreg:$0x2] =	wrdreg s24  }
0xaf: {  	[dreg:$0x3] =	wrdreg s2  }
0xb0: {  	[dreg:$0x4] =	wrdreg $0x70000  }
0xb1: {  	[dreg:$0x5] =	wrdreg $0x9  }
0xb2: {  	_ =	task.clear_ibuf [dreg:s7], $0x6FFFF;
	_ =	strace $0x90000049  }
0xb3: {  	s29 =	simm.s32 $0x9;
	_ =	strace $0x8000004B  }
0xb4: {  	_ =	swait.ge [sflag:s29], $0x1  }
0xb5: {  	[sflag:s29] =	ssyncadd.s32 $0xFFFFFFFF  }
0xb6: {  	_ =	strace $0x9000004B  }
0xb7: {  	_ =	sfence  }
0xb8: {  	s30 =	sld [smem:$0x0];
	_ =	sdelay $0x2  }
0xb9: {  	s31 =	sshll.u32 s1, $0xD;
	s1 =	sshrl.u32 s1, $0x2  }
0xba: {  	s3 =	sand.u32 $0x4000, s31;
	s1 =	sadd.s32 s1, s30  }
0xbb: {  	s0 =	sor.u32 s3, s0;
	s1 =	sshll.u32 s1, $0x11  }
0xbc: {  	s0 =	sor.u32 s1, s0  }
0xbd: {  	s0 =	sadd.s32 $0x8F2B, s0  }
0xbe: {  	[sflag:s0] =	ssyncadd.remote.s32 $0x1  }
0xbf: {  	_ =	sfence.sel $0xFFFF  }
0xc0: {  	[dreg:$0x0] =	wrdreg $0xFFFFFFFF;
	(pc) =	sbr.abs _section_cstart, $3  }
0xc1: {  	[dreg:$0x1] =	wrdreg $0xFFFFFFFF  }
0xc2: {  	_ =	task.clear_ibuf [dreg:s7], $0x2FFFF;
	_ =	strace $0x9FFFFFFF  }
0xc3: {  	(tm) =	ssettm $0x7FFFFFFF  }
tec
execute0_lowered:
.L_overlay_start_1:
0x0: {  	(tag) =	ssettag $0x1  }
0x1: {  	s7 =	rddreg [dreg:$0x0]  }
0x2: {  	s1 =	rddreg [dreg:$0x1]  }
0x3: {  	s2 =	rddreg [dreg:$0x2]  }
0x4: {  	s3 =	srdreg.scid;
	s0 =	rddreg [dreg:$0x3];
	s4 =	simm.s32 $0x0  }
0x5: {  	s14 =	simm.s32 $0x50;
	s15 =	simm.s32 $0x2000;
	s16 =	simm.s32 $0x80  }
0x6: {  	s17 =	simm.s32 $0x4800;
	s18 =	simm.s32 $0x1;
	s19 =	simm.s32 $0x2  }
0x7: {  	s20 =	simm.s32 $0x3;
	s21 =	simm.s32 $0x100;
	s22 =	simm.s32 $0x1080  }
0x8: {  	s23 =	simm.s32 $0x4;
	s24 =	simm.s32 $0x1C00;
	s8 =	sand.u32 $0x1, s3  }
0x9: {  	s25 =	simm.s32 $0x0;
	s3 =	stileid.u32;
	s6 =	smul.u32 $0x140000, s8  }
0xa: {  	[smem:$0x7FF] =	sst s4;
	s5 =	sadd.s32 $0x2A800, s7;
	s9 =	smul.u32 $0x14000, s3  }
0xb: {  	_ =	strace $0x8000004A;
	s26 =	ssub.s32 $0x2, s8;
	s12 =	smul.u32 $0x50000, s3  }
0xc: {  	s28 =	sshll.u32 s8, $0x4;
	s30 =	sshll.u32 s3, $0x6;
	s11 =	sshrl.u32 s26, $0x1  }
0xd: {  	s31 =	sor.u32 s3, s28;
	s6 =	sadd.s32 s9, s6;
	s11 =	ssub.s32 s26, s11  }
0xe: {  	s29 =	sshrl.u32 s12, $0x2;
	s8 =	smul.u32 $0x5000, s31;
	s10 =	sshrl.u32 s6, $0x3  }
0xf: {  	s12 =	simm.s32 $0x5;
	s6 =	sadd.s32 $0x2800, s7;
	s10 =	sadd.s32 s10, s7  }
0x10: {  	s13 =	sadd.s32 s29, s2;
	s7 =	sor.u32 $0x1C05, s30;
	s9 =	sadd.s32 $0x51A00, s10  }
0x11: {  	s10 =	smax.u32 s11, $0x1;
	s11 =	sshrl.u32 s13, $0x3;
	s13 =	simm.s32 $0x1000  }
.LBB2_1:
0x12: {  	[spmem:s11], [sflag:s7] =	dma.local [hbm:s1], $0x2800  }
0x13: {  	_ =	swait.ge [sflag:s12], $0x2800  }
0x14: {  	[sflag:s12] =	ssyncset.done $0x0  }
0x15: {  	[sflag:s12] =	ssyncadd.s32 $0xFFFFD800  }
0x16: {  	s26 =	simm.s32 $0x0;
	[bflag:$0x0] =	sbarrier.arrive $0xFFFF  }
.LBB2_2:
0x17: {  	s28 =	sshll.u32 s26, $0xC  }
0x18: {  	s28 =	sadd.s32 s8, s28  }
0x19: {  	s28 =	sshrl.u32 s28, $0x3  }
0x1a: {  	s28 =	sadd.s32 s6, s28  }
0x1b: {  	[tilespmem:s4], [sflag:$0x5] =	stream.linear.gather [hbm4b:s28+s4], $0xC80, $0x38;
	[tilespmem:$0x1B000] =	vst v63  }
0x1c: {  	_ =	swait.ge [sflag:s12], $0xC80  }
0x1d: {  	[sflag:s12] =	ssyncset.done $0x0  }
0x1e: {  	s28 =	sadd.s32 $0x14000, s28;
	[sflag:s12] =	ssyncadd.s32 $0xFFFFF380  }
0x1f: {  	[tilespmem:s13], [sflag:$0x5] =	stream.linear.gather [hbm4b:s28+s4], $0xC80, $0x38;
	[tilespmem:$0x1B000] =	vst v63  }
0x20: {  	_ =	swait.ge [sflag:s12], $0xC80  }
0x21: {  	[sflag:s12] =	ssyncset.done $0x0  }
0x22: {  	[sflag:s12] =	ssyncadd.s32 $0xFFFFF380  }
0x23: {  	[tilespmem:s15], [sflag:$0x1] =	stream.indirect.gather [hbm4b:s5+s14], $0x80, s4, s14, $0xb8;
	[tilespmem:$0x1B000] =	vst v63  }
0x24: {  	_ = 	snop  }
0x25: {  	[tilespmem:s17], [sflag:$0x2] =	stream.indirect.gather [hbm4b:s5+s14], $0x80, s16, s14, $0xb8;
	[tilespmem:$0x1B000] =	vst v63  }
0x26: {  	_ =	swait.ge [sflag:s18], $0x2800  }
0x27: {  	[sflag:s18] =	ssyncset.done $0x0  }
0x28: {  	[sflag:s18] =	ssyncadd.s32 $0xFFFFD800  }
0x29: {  	[spmem:s2] =	stream.indirect.scatter.add.f32 [tilespmem:s15], [sflag:$0x3], $0x80, s13, s14, $0xb8;
	[tilespmem:$0x1B000] =	vst v63  }
0x2a: {  	_ =	swait.ge [sflag:s19], $0x2800  }
0x2b: {  	[sflag:s19] =	ssyncset.done $0x0  }
0x2c: {  	[sflag:s19] =	ssyncadd.s32 $0xFFFFD800  }
0x2d: {  	_ =	swait.ge [sflag:s20], $0x2800  }
0x2e: {  	[sflag:s20] =	ssyncset.done $0x0  }
0x2f: {  	[sflag:s20] =	ssyncadd.s32 $0xFFFFD800  }
0x30: {  	[tilespmem:s15], [sflag:$0x1] =	stream.indirect.gather [hbm4b:s5+s14], $0x80, s21, s14, $0xb8;
	[tilespmem:$0x1B000] =	vst v63  }
0x31: {  	_ = 	snop  }
0x32: {  	[spmem:s2] =	stream.indirect.scatter.add.f32 [tilespmem:s17], [sflag:$0x4], $0x80, s22, s14, $0xb8;
	[tilespmem:$0x1B000] =	vst v63  }
0x33: {  	_ =	swait.ge [sflag:s23], $0x2800  }
0x34: {  	[sflag:s23] =	ssyncset.done $0x0  }
0x35: {  	s28 =	simm.s32 $0x180;
	[sflag:s23] =	ssyncadd.s32 $0xFFFFD800  }
0x36: {  	[tilespmem:s17], [sflag:$0x2] =	stream.indirect.gather [hbm4b:s5+s14], $0x80, s28, s14, $0xb8;
	[tilespmem:$0x1B000] =	vst v63  }
0x37: {  	_ =	swait.ge [sflag:s18], $0x2800  }
0x38: {  	[sflag:s18] =	ssyncset.done $0x0  }
0x39: {  	s28 =	simm.s32 $0x1100;
	[sflag:s18] =	ssyncadd.s32 $0xFFFFD800  }
0x3a: {  	[spmem:s2] =	stream.indirect.scatter.add.f32 [tilespmem:s15], [sflag:$0x3], $0x80, s28, s14, $0xb8;
	[tilespmem:$0x1B000] =	vst v63  }
0x3b: {  	_ =	swait.ge [sflag:s19], $0x2800  }
0x3c: {  	[sflag:s19] =	ssyncset.done $0x0  }
0x3d: {  	[sflag:s19] =	ssyncadd.s32 $0xFFFFD800  }
0x3e: {  	_ =	swait.ge [sflag:s20], $0x2800  }
0x3f: {  	[sflag:s20] =	ssyncset.done $0x0  }
0x40: {  	s28 =	simm.s32 $0x200;
	[sflag:s20] =	ssyncadd.s32 $0xFFFFD800  }
0x41: {  	[tilespmem:s15], [sflag:$0x1] =	stream.indirect.gather [hbm4b:s5+s14], $0x80, s28, s14, $0xb8;
	[tilespmem:$0x1B000] =	vst v63  }
0x42: {  	s29 =	simm.s32 $0x1180;
	s28 =	simm.s32 $0xFFFFD800  }
.LBB2_3:
0x43: {  	[spmem:s2] =	stream.indirect.scatter.add.f32 [tilespmem:s17], [sflag:$0x4], $0x80, s29, s14, $0xb8;
	[tilespmem:$0x1B000] =	vst v63  }
0x44: {  	s29 =	smov.u32 s28  }
0x45: {  	p0 =	sne.s32 s28, $0xFFFFFC00;
	s28 =	sadd.s32 $0x400, s28;
	_ =	swait.ge [sflag:s23], $0x2800  }
0x46: {  	s29 =	sshra.s32 s29, $0x2;
	[sflag:s23] =	ssyncset.done $0x0  }
0x47: {  	s30 =	sadd.s32 $0xC80, s29;
	[sflag:s23] =	ssyncadd.s32 $0xFFFFD800  }
0x48: {  	[tilespmem:s17], [sflag:$0x2] =	stream.indirect.gather [hbm4b:s5+s14], $0x80, s30, s14, $0xb8;
	[tilespmem:$0x1B000] =	vst v63  }
0x49: {  	_ =	swait.ge [sflag:s18], $0x2800  }
0x4a: {  	[sflag:s18] =	ssyncset.done $0x0  }
0x4b: {  	s30 =	sadd.s32 $0x1C00, s29;
	[sflag:s18] =	ssyncadd.s32 $0xFFFFD800  }
0x4c: {  	[spmem:s2] =	stream.indirect.scatter.add.f32 [tilespmem:s15], [sflag:$0x3], $0x80, s30, s14, $0xb8;
	[tilespmem:$0x1B000] =	vst v63  }
0x4d: {  	_ =	swait.ge [sflag:s19], $0x2800  }
0x4e: {  	[sflag:s19] =	ssyncset.done $0x0  }
0x4f: {  	[sflag:s19] =	ssyncadd.s32 $0xFFFFD800  }
.Ltmp0:
0x50: {  	_ =	swait.ge [sflag:s20], $0x2800;
	(pc) =	sbr.rel @p0 .LBB2_3-.Ltmp0, $4  }
0x51: {  	[sflag:s20] =	ssyncset.done $0x0  }
0x52: {  	s30 =	sadd.s32 $0xD00, s29;
	[sflag:s20] =	ssyncadd.s32 $0xFFFFD800  }
0x53: {  	[tilespmem:s15], [sflag:$0x1] =	stream.indirect.gather [hbm4b:s5+s14], $0x80, s30, s14, $0xb8;
	[tilespmem:$0x1B000] =	vst v63  }
0x54: {  	s29 =	sadd.s32 $0x1C80, s29  }
0x55: {  	[spmem:s2] =	stream.indirect.scatter.add.f32 [tilespmem:s17], [sflag:$0x4], $0x80, s29, s14, $0xb8;
	[tilespmem:$0x1B000] =	vst v63  }
0x56: {  	_ =	swait.ge [sflag:s23], $0x2800  }
0x57: {  	[sflag:s23] =	ssyncset.done $0x0  }
0x58: {  	[sflag:s23] =	ssyncadd.s32 $0xFFFFD800  }
0x59: {  	s26 =	sadd.s32 $0x1, s26;
	_ =	swait.ge [sflag:s18], $0x2800  }
0x5a: {  	p0 =	sne.s32 s26, $0x5;
	[sflag:s18] =	ssyncset.done $0x0  }
.Ltmp1:
0x5b: {  	[sflag:s18] =	ssyncadd.s32 $0xFFFFD800;
	(pc) =	sbr.rel @p0 .LBB2_2-.Ltmp1, $4  }
0x5c: {  	[spmem:s2] =	stream.indirect.scatter.add.f32 [tilespmem:s15], [sflag:$0x5], $0x80, s24, s14, $0xb8;
	[tilespmem:$0x1B000] =	vst v63  }
0x5d: {  	_ =	swait.ge [sflag:s12], $0x2800  }
0x5e: {  	[sflag:s12] =	ssyncset.done $0x0  }
0x5f: {  	[sflag:s12] =	ssyncadd.s32 $0xFFFFD800  }
0x60: {  	s25 =	sadd.s32 $0x1, s25  }
0x61: {  	p0 =	sne.s32 s25, s10  }
.Ltmp2:
0x62: {  	[bflag:$0x0] =	sbarrier.arrive $0xFFFF;
	(pc) =	sbr.rel @p0 .LBB2_1-.Ltmp2, $4  }
0x63: {  	[hbm:s9], [sflag:s7] =	dma.local [spmem:s11], $0x2800  }
0x64: {  	_ =	swait.ge [sflag:s12], $0x2800  }
0x65: {  	[sflag:s12] =	ssyncset.done $0x0  }
0x66: {  	[sflag:s12] =	ssyncadd.s32 $0xFFFFD800  }
0x67: {  	_ =	sfence.sel $0x180000  }
0x68: {  	[bflag:$0x0] =	sbarrier.arrive $0xFFFF  }
0x69: {  	p0 =	sne.s32 s3, $0x0;
	_ =	strace $0x9000004A  }
0x6a: {  	s0 =	sadd.s32 @!p0 $0x100000, s0;
	[bflag:$0x2] =	sbarrier.arrive $0xFFFF  }
0x6b: {  	[sflag:s0] =	ssyncadd.tile.s32 @!p0 $0x1;
	_ =	shalt  }
.Lfunc_end2:
_tile_overlayer_lowered:
.L_overlay_start_2:
0x6c: {  	(tag) =	ssettag $0x2  }
0x6d: {  	s0 =	rddreg [dreg:$0x0];
	s2 =	stileid.u32  }
0x6e: {  	s1 =	rddreg [dreg:$0x1];
	p0 =	sne.s32 s2, $0x0  }
0x6f: {  	s3 =	rddreg [dreg:$0x2];
	[bflag:$0x3] =	sbarrier.arrive $0xFFFF;
	s2 =	simm.s32 @!p0 $0x1C05  }
0x70: {  	[timem:s3], [sflag:s2] =	dma.local @!p0 [hbm:s0], s1  }
0x71: {  	s0 =	simm.s32 @!p0 $0x5  }
0x72: {  	_ =	swait.ge @!p0 [sflag:s0], s1  }
0x73: {  	s1 =	ssub.s32 @!p0 $0x0, s1;
	[sflag:s0] =	ssyncset.done @!p0 $0x0  }
0x74: {  	[sflag:s0] =	ssyncadd.s32 @!p0 s1  }
0x75: {  	[bflag:$0x3] =	sbarrier.arrive $0xFFFF  }
0x76: {  	_ =	shalt  }

</sc_bundles>
